<compile_context>
chip_gen: v7x
topology: tpu7x:2x2x1
jax: 0.10.2.dev20260603
libtpu: 0.0.44.dev20260713+nightly
codegen_flags: <defaults>
</compile_context>

<pallas_src>
import functools

import jax
import jax.numpy as jnp
from jax import lax
from jax.experimental import pallas as pl
from jax.experimental.pallas import tpu as pltpu
from jax.experimental.pallas import tpu_sc as plsc

_NUM_BINS = 1024
_LANES = 128

_INFO = plsc.get_sparse_core_info()
_NC = _INFO.num_cores
_NS = _INFO.num_subcores
_NW = _NC * _NS
_BPW = _NUM_BINS // _NS


def _tc_body(beta_ref, p_ref, t_ref, pid_ref, rec_ref,
             w_ref, wm_ref, c_ref, pid_out_ref):
    n = beta_ref.shape[0]
    npad = w_ref.shape[0]
    w_ref[...] = jnp.zeros((npad,), jnp.float32)
    wm_ref[...] = jnp.zeros((npad,), jnp.float32)
    c_ref[...] = jnp.zeros((npad,), jnp.float32)
    pid_out_ref[...] = jnp.zeros((npad,), jnp.int32)
    beta = beta_ref[...]
    d = p_ref[...] - t_ref[...]
    mse = jnp.sum(d * d, axis=0)
    pid = pid_ref[...]
    m = (pid > 0) & (rec_ref[...] > 0)
    ath = 0.5 * jnp.log((1.0 + beta) / (1.0 - beta))
    w = jnp.where(m, ath * ath, 0.0)
    w_ref[pl.ds(0, n)] = w
    wm_ref[pl.ds(0, n)] = w * mse
    c_ref[pl.ds(0, n)] = m.astype(jnp.float32)
    pid_out_ref[pl.ds(0, n)] = pid


def _sc_body(rows, w_hbm, wm_hbm, c_hbm, pid_hbm,
             aw_hbm, am_hbm, ac_hbm,
             idx_v, wv, mv, cv, zb, ow, om, oc,
             aw, am, ac):
    c = lax.axis_index("c")
    s = lax.axis_index("s")
    wid = s * _NC + c
    chunk = rows * _LANES
    zero16 = jnp.zeros((16,), jnp.float32)

    for k in range(_BPW // 16):
        zb[pl.ds(16 * k, 16)] = zero16
    pltpu.sync_copy(zb, aw.at[pl.ds(s * _BPW, _BPW)])
    pltpu.sync_copy(zb, am.at[pl.ds(s * _BPW, _BPW)])
    pltpu.sync_copy(zb, ac.at[pl.ds(s * _BPW, _BPW)])

    pltpu.sync_copy(pid_hbm.at[pl.ds(wid * chunk, chunk)], idx_v)
    pltpu.sync_copy(w_hbm.at[pl.ds(wid * chunk, chunk)], wv)
    pltpu.sync_copy(wm_hbm.at[pl.ds(wid * chunk, chunk)], mv)
    pltpu.sync_copy(c_hbm.at[pl.ds(wid * chunk, chunk)], cv)
    plsc.subcore_barrier()

    for j in range(rows):
        ji = idx_v.at[pl.ds(j * _LANES, _LANES)]
        pltpu.sync_copy(wv.at[pl.ds(j * _LANES, _LANES)], aw.at[ji], add=True)
        pltpu.sync_copy(mv.at[pl.ds(j * _LANES, _LANES)], am.at[ji], add=True)
        pltpu.sync_copy(cv.at[pl.ds(j * _LANES, _LANES)], ac.at[ji], add=True)
    plsc.subcore_barrier()

    off = c * _NUM_BINS + s * _BPW
    pltpu.sync_copy(aw.at[pl.ds(s * _BPW, _BPW)], ow)
    pltpu.sync_copy(am.at[pl.ds(s * _BPW, _BPW)], om)
    pltpu.sync_copy(ac.at[pl.ds(s * _BPW, _BPW)], oc)
    pltpu.sync_copy(ow, aw_hbm.at[pl.ds(off, _BPW)])
    pltpu.sync_copy(om, am_hbm.at[pl.ds(off, _BPW)])
    pltpu.sync_copy(oc, ac_hbm.at[pl.ds(off, _BPW)])


def _fin_body(aw_ref, am_ref, ac_ref, o_ref):
    aw2 = aw_ref[...]
    am2 = am_ref[...]
    ac2 = ac_ref[...]
    aw = aw2[:_NUM_BINS]
    am = am2[:_NUM_BINS]
    ac = ac2[:_NUM_BINS]
    for k in range(1, _NC):
        aw = aw + aw2[k * _NUM_BINS:(k + 1) * _NUM_BINS]
        am = am + am2[k * _NUM_BINS:(k + 1) * _NUM_BINS]
        ac = ac + ac2[k * _NUM_BINS:(k + 1) * _NUM_BINS]
    pres = ac > 0.0
    safe = jnp.where(pres, aw, 1.0)
    ratios = jnp.where(pres, am / safe, 0.0)
    count = jnp.sum(pres.astype(jnp.float32))
    o_ref[...] = jnp.full((1, 1), 100.0 * jnp.sum(ratios) / count)


@jax.jit
def kernel(beta, pred, particle_id, track_params, reconstructable):
    n = beta.shape[0]
    grain = _NW * _LANES
    npad = ((n + grain - 1) // grain) * grain
    rows = npad // grain
    chunk = npad // _NW
    padn = npad - n

    pid_i = particle_id.astype(jnp.int32)
    rec_i = reconstructable.astype(jnp.int32)

    w, wm, c, pid_p = pl.pallas_call(
        _tc_body,
        out_shape=[jax.ShapeDtypeStruct((npad,), jnp.float32)] * 3
        + [jax.ShapeDtypeStruct((npad,), jnp.int32)],
    )(beta, pred.T, track_params.T, pid_i, rec_i)

    mesh = plsc.VectorSubcoreMesh(core_axis_name="c", subcore_axis_name="s")
    sc = pl.kernel(
        functools.partial(_sc_body, rows),
        out_type=[jax.ShapeDtypeStruct((_NC * _NUM_BINS,), jnp.float32)] * 3,
        mesh=mesh,
        scratch_types=[
            pltpu.VMEM((chunk,), jnp.int32),
            pltpu.VMEM((chunk,), jnp.float32),
            pltpu.VMEM((chunk,), jnp.float32),
            pltpu.VMEM((chunk,), jnp.float32),
            pltpu.VMEM((_BPW,), jnp.float32),
            pltpu.VMEM((_BPW,), jnp.float32),
            pltpu.VMEM((_BPW,), jnp.float32),
            pltpu.VMEM((_BPW,), jnp.float32),
            pltpu.VMEM_SHARED((_NUM_BINS,), jnp.float32),
            pltpu.VMEM_SHARED((_NUM_BINS,), jnp.float32),
            pltpu.VMEM_SHARED((_NUM_BINS,), jnp.float32),
        ],
    )
    aw, am, ac = sc(w, wm, c, pid_p)

    out = pl.pallas_call(
        _fin_body,
        out_shape=jax.ShapeDtypeStruct((1, 1), jnp.float32),
    )(aw, am, ac)
    return out[0, 0]

# --- scband reference (transcript-rebuilt; emitter-appended) ---
"""Pipeline reference for scband-object-loss-6468220748639 (READ-ONLY COPY).

The authoritative reference and input builder live on the scoring server;
editing this copy changes nothing except your own understanding.
"""

import jax, jax.numpy as jnp
import numpy as np


def setup_inputs(seed: int = 0) -> dict:
    key = jax.random.key(seed)
    N, D = 50000, 8
    k1, k2, k3, k4, k5 = jax.random.split(key, 5)
    beta = jax.random.uniform(k1, (N,), dtype=jnp.float32)
    pred = jax.random.normal(k2, (N, D), dtype=jnp.float32)
    particle_id = jax.random.randint(k3, (N,), 0, 1000)
    track_params = jax.random.normal(k4, (N, D), dtype=jnp.float32)
    reconstructable = jax.random.randint(k5, (N,), 0, 2)
    return {
        "beta": beta,
        "pred": pred,
        "particle_id": particle_id,
        "track_params": track_params,
        "reconstructable": reconstructable,
    }


def reference(beta, pred, particle_id, track_params, reconstructable):
    scale = 100.0
    num_pids = 1000
    mask = reconstructable > 0
    # MSE per hit: sum over feature dim of squared error
    mse = jnp.sum((pred - track_params) ** 2, axis=1)
    # efficiency mode
    pids = jnp.arange(num_pids, dtype=particle_id.dtype)
    pid_masks = (
        (particle_id[:, None] == pids[None, :])
        & mask[:, None]
        & (particle_id[:, None] > 0)
    )
    xi_p = pid_masks * (jnp.arctanh(beta) ** 2)[:, None]
    xi_p_norm = jnp.sum(xi_p, axis=0)
    terms = jnp.sum(mse[:, None] * xi_p, axis=0)
    present = jnp.any(pid_masks, axis=0)
    safe_norm = jnp.where(present, xi_p_norm, jnp.ones_like(xi_p_norm))
    ratios = jnp.where(present, terms / safe_norm, jnp.zeros_like(terms))
    count = jnp.sum(present).astype(terms.dtype)
    loss = jnp.sum(ratios) / count
    return scale * loss

if __name__ == "__main__":
    import jax
    _d = setup_inputs()
    print(jax.jit(kernel)(*tuple(_d.values())))

</pallas_src>

<mosaic_0001>
#map = affine_map<(d0, d1) -> (0)>
module attributes {stable_mosaic.version = 14 : i64} {
  func.func @_sc_body(%arg0: i32, %arg1: i32, %arg2: memref<53248xf32, #tpu.memory_space<hbm>>, %arg3: memref<53248xf32, #tpu.memory_space<hbm>>, %arg4: memref<53248xf32, #tpu.memory_space<hbm>>, %arg5: memref<53248xi32, #tpu.memory_space<hbm>>, %arg6: memref<2048xf32, #tpu.memory_space<hbm>>, %arg7: memref<2048xf32, #tpu.memory_space<hbm>>, %arg8: memref<2048xf32, #tpu.memory_space<hbm>>, %arg9: memref<1664xi32, #tpu.memory_space<vmem>>, %arg10: memref<1664xf32, #tpu.memory_space<vmem>>, %arg11: memref<1664xf32, #tpu.memory_space<vmem>>, %arg12: memref<1664xf32, #tpu.memory_space<vmem>>, %arg13: memref<64xf32, #tpu.memory_space<vmem>>, %arg14: memref<64xf32, #tpu.memory_space<vmem>>, %arg15: memref<64xf32, #tpu.memory_space<vmem>>, %arg16: memref<64xf32, #tpu.memory_space<vmem>>, %arg17: memref<1024xf32, #tpu.memory_space<vmem_shared>>, %arg18: memref<1024xf32, #tpu.memory_space<vmem_shared>>, %arg19: memref<1024xf32, #tpu.memory_space<vmem_shared>>) attributes {dimension_semantics = [#tpu.dimension_semantics<core_parallel>, #tpu.dimension_semantics<subcore_parallel>], iteration_bounds = array<i64: 2, 16>, scalar_prefetch = 0 : i64, scratch_operands = 11 : i64, tpu.core_type = #tpu.core_type<sc_vector_subcore>, window_params = [{transform_indices = #map}, {transform_indices = #map}, {transform_indices = #map}, {transform_indices = #map}, {transform_indices = #map}, {transform_indices = #map}, {transform_indices = #map}]} {
    %mul3A = arith.constant 2 : i32
    %mul3A_0 = arith.muli %arg1, %mul3A : i32
    %add3A = arith.addi %mul3A_0, %arg0 : i32
    %broadcast_in_dim3A = arith.constant 0.000000e+00 : f32
    %broadcast_in_dim3A_1 = vector.broadcast %broadcast_in_dim3A : f32 to vector<16xf32>
    %swap3A = arith.constant 0 : index
    %swap3A_2 = tpu.vector_load %arg13[%swap3A] {strides = array<i32>} : memref<64xf32, #tpu.memory_space<vmem>>, vector<16xf32>,
    %swap3A_3 = vector.shape_cast %swap3A_2 : vector<16xf32> to vector<16xf32>
    %swap3A_4 = vector.shape_cast %broadcast_in_dim3A_1 : vector<16xf32> to vector<16xf32>
    tpu.vector_store %arg13[%swap3A], %swap3A_4 {strides = array<i32>} : memref<64xf32, #tpu.memory_space<vmem>>, vector<16xf32>,
    %swap3A_5 = arith.constant 16 : index
    %swap3A_6 = tpu.vector_load %arg13[%swap3A_5] {strides = array<i32>} : memref<64xf32, #tpu.memory_space<vmem>>, vector<16xf32>,
    %swap3A_7 = vector.shape_cast %swap3A_6 : vector<16xf32> to vector<16xf32>
    %swap3A_8 = vector.shape_cast %broadcast_in_dim3A_1 : vector<16xf32> to vector<16xf32>
    tpu.vector_store %arg13[%swap3A_5], %swap3A_8 {strides = array<i32>} : memref<64xf32, #tpu.memory_space<vmem>>, vector<16xf32>,
    %swap3A_9 = arith.constant 32 : index
    %swap3A_10 = tpu.vector_load %arg13[%swap3A_9] {strides = array<i32>} : memref<64xf32, #tpu.memory_space<vmem>>, vector<16xf32>,
    %swap3A_11 = vector.shape_cast %swap3A_10 : vector<16xf32> to vector<16xf32>
    %swap3A_12 = vector.shape_cast %broadcast_in_dim3A_1 : vector<16xf32> to vector<16xf32>
    tpu.vector_store %arg13[%swap3A_9], %swap3A_12 {strides = array<i32>} : memref<64xf32, #tpu.memory_space<vmem>>, vector<16xf32>,
    %swap3A_13 = arith.constant 48 : index
    %swap3A_14 = tpu.vector_load %arg13[%swap3A_13] {strides = array<i32>} : memref<64xf32, #tpu.memory_space<vmem>>, vector<16xf32>,
    %swap3A_15 = vector.shape_cast %swap3A_14 : vector<16xf32> to vector<16xf32>
    %swap3A_16 = vector.shape_cast %broadcast_in_dim3A_1 : vector<16xf32> to vector<16xf32>
    tpu.vector_store %arg13[%swap3A_13], %swap3A_16 {strides = array<i32>} : memref<64xf32, #tpu.memory_space<vmem>>, vector<16xf32>,
    %mul3A_17 = arith.constant 64 : i32
    %mul3A_18 = arith.muli %arg1, %mul3A_17 : i32
    "tpu.region"() ({
      %run_scoped3A = tpu.sem_alloc : memref<!tpu.dma_semaphore, #tpu.memory_space<semaphore_mem>>
      %dma_start3A = tpu.memref_slice %arg17[%mul3A_18] : memref<1024xf32, #tpu.memory_space<vmem_shared>> -> memref<64xf32, #tpu.memory_space<vmem_shared>>
      %dma_start3A_43 = tpu.memref_slice %arg17[%mul3A_18] : memref<1024xf32, #tpu.memory_space<vmem_shared>> -> memref<64xf32, #tpu.memory_space<vmem_shared>>
      tpu.enqueue_dma source(%arg13 : memref<64xf32, #tpu.memory_space<vmem>>) target(%dma_start3A_43 : memref<64xf32, #tpu.memory_space<vmem_shared>>) target_semaphore(%run_scoped3A : memref<!tpu.dma_semaphore, #tpu.memory_space<semaphore_mem>>)
      %dma_wait3A = tpu.memref_slice %arg17[%mul3A_18] : memref<1024xf32, #tpu.memory_space<vmem_shared>> -> memref<64xf32, #tpu.memory_space<vmem_shared>>
      %dma_wait3A_44 = tpu.memref_slice %arg17[%mul3A_18] : memref<1024xf32, #tpu.memory_space<vmem_shared>> -> memref<64xf32, #tpu.memory_space<vmem_shared>>
      tpu.wait_dma2 semaphore(%run_scoped3A : memref<!tpu.dma_semaphore, #tpu.memory_space<semaphore_mem>>) src(%arg13 : memref<64xf32, #tpu.memory_space<vmem>>) dst(%dma_wait3A_44 : memref<64xf32, #tpu.memory_space<vmem_shared>>)
      tpu.yield
    }) : () -> ()
    %mul3A_19 = arith.constant 64 : i32
    %mul3A_20 = arith.muli %arg1, %mul3A_19 : i32
    "tpu.region"() ({
      %run_scoped3A = tpu.sem_alloc : memref<!tpu.dma_semaphore, #tpu.memory_space<semaphore_mem>>
      %dma_start3A = tpu.memref_slice %arg18[%mul3A_20] : memref<1024xf32, #tpu.memory_space<vmem_shared>> -> memref<64xf32, #tpu.memory_space<vmem_shared>>
      %dma_start3A_43 = tpu.memref_slice %arg18[%mul3A_20] : memref<1024xf32, #tpu.memory_space<vmem_shared>> -> memref<64xf32, #tpu.memory_space<vmem_shared>>
      tpu.enqueue_dma source(%arg13 : memref<64xf32, #tpu.memory_space<vmem>>) target(%dma_start3A_43 : memref<64xf32, #tpu.memory_space<vmem_shared>>) target_semaphore(%run_scoped3A : memref<!tpu.dma_semaphore, #tpu.memory_space<semaphore_mem>>)
      %dma_wait3A = tpu.memref_slice %arg18[%mul3A_20] : memref<1024xf32, #tpu.memory_space<vmem_shared>> -> memref<64xf32, #tpu.memory_space<vmem_shared>>
      %dma_wait3A_44 = tpu.memref_slice %arg18[%mul3A_20] : memref<1024xf32, #tpu.memory_space<vmem_shared>> -> memref<64xf32, #tpu.memory_space<vmem_shared>>
      tpu.wait_dma2 semaphore(%run_scoped3A : memref<!tpu.dma_semaphore, #tpu.memory_space<semaphore_mem>>) src(%arg13 : memref<64xf32, #tpu.memory_space<vmem>>) dst(%dma_wait3A_44 : memref<64xf32, #tpu.memory_space<vmem_shared>>)
      tpu.yield
    }) : () -> ()
    %mul3A_21 = arith.constant 64 : i32
    %mul3A_22 = arith.muli %arg1, %mul3A_21 : i32
    "tpu.region"() ({
      %run_scoped3A = tpu.sem_alloc : memref<!tpu.dma_semaphore, #tpu.memory_space<semaphore_mem>>
      %dma_start3A = tpu.memref_slice %arg19[%mul3A_22] : memref<1024xf32, #tpu.memory_space<vmem_shared>> -> memref<64xf32, #tpu.memory_space<vmem_shared>>
      %dma_start3A_43 = tpu.memref_slice %arg19[%mul3A_22] : memref<1024xf32, #tpu.memory_space<vmem_shared>> -> memref<64xf32, #tpu.memory_space<vmem_shared>>
      tpu.enqueue_dma source(%arg13 : memref<64xf32, #tpu.memory_space<vmem>>) target(%dma_start3A_43 : memref<64xf32, #tpu.memory_space<vmem_shared>>) target_semaphore(%run_scoped3A : memref<!tpu.dma_semaphore, #tpu.memory_space<semaphore_mem>>)
      %dma_wait3A = tpu.memref_slice %arg19[%mul3A_22] : memref<1024xf32, #tpu.memory_space<vmem_shared>> -> memref<64xf32, #tpu.memory_space<vmem_shared>>
      %dma_wait3A_44 = tpu.memref_slice %arg19[%mul3A_22] : memref<1024xf32, #tpu.memory_space<vmem_shared>> -> memref<64xf32, #tpu.memory_space<vmem_shared>>
      tpu.wait_dma2 semaphore(%run_scoped3A : memref<!tpu.dma_semaphore, #tpu.memory_space<semaphore_mem>>) src(%arg13 : memref<64xf32, #tpu.memory_space<vmem>>) dst(%dma_wait3A_44 : memref<64xf32, #tpu.memory_space<vmem_shared>>)
      tpu.yield
    }) : () -> ()
    %mul3A_23 = arith.constant 1664 : i32
    %mul3A_24 = arith.muli %add3A, %mul3A_23 : i32
    "tpu.region"() ({
      %run_scoped3A = tpu.sem_alloc : memref<!tpu.dma_semaphore, #tpu.memory_space<semaphore_mem>>
      %dma_start3A = tpu.memref_slice %arg5[%mul3A_24] : memref<53248xi32, #tpu.memory_space<hbm>> -> memref<1664xi32, #tpu.memory_space<hbm>>
      %dma_start3A_43 = tpu.memref_slice %arg5[%mul3A_24] : memref<53248xi32, #tpu.memory_space<hbm>> -> memref<1664xi32, #tpu.memory_space<hbm>>
      tpu.enqueue_dma source(%dma_start3A_43 : memref<1664xi32, #tpu.memory_space<hbm>>) target(%arg9 : memref<1664xi32, #tpu.memory_space<vmem>>) target_semaphore(%run_scoped3A : memref<!tpu.dma_semaphore, #tpu.memory_space<semaphore_mem>>)
      %dma_wait3A = tpu.memref_slice %arg5[%mul3A_24] : memref<53248xi32, #tpu.memory_space<hbm>> -> memref<1664xi32, #tpu.memory_space<hbm>>
      %dma_wait3A_44 = tpu.memref_slice %arg5[%mul3A_24] : memref<53248xi32, #tpu.memory_space<hbm>> -> memref<1664xi32, #tpu.memory_space<hbm>>
      tpu.wait_dma2 semaphore(%run_scoped3A : memref<!tpu.dma_semaphore, #tpu.memory_space<semaphore_mem>>) src(%dma_wait3A_44 : memref<1664xi32, #tpu.memory_space<hbm>>) dst(%arg9 : memref<1664xi32, #tpu.memory_space<vmem>>)
      tpu.yield
    }) : () -> ()
    %mul3A_25 = arith.constant 1664 : i32
    %mul3A_26 = arith.muli %add3A, %mul3A_25 : i32
    "tpu.region"() ({
      %run_scoped3A = tpu.sem_alloc : memref<!tpu.dma_semaphore, #tpu.memory_space<semaphore_mem>>
      %dma_start3A = tpu.memref_slice %arg2[%mul3A_26] : memref<53248xf32, #tpu.memory_space<hbm>> -> memref<1664xf32, #tpu.memory_space<hbm>>
      %dma_start3A_43 = tpu.memref_slice %arg2[%mul3A_26] : memref<53248xf32, #tpu.memory_space<hbm>> -> memref<1664xf32, #tpu.memory_space<hbm>>
      tpu.enqueue_dma source(%dma_start3A_43 : memref<1664xf32, #tpu.memory_space<hbm>>) target(%arg10 : memref<1664xf32, #tpu.memory_space<vmem>>) target_semaphore(%run_scoped3A : memref<!tpu.dma_semaphore, #tpu.memory_space<semaphore_mem>>)
      %dma_wait3A = tpu.memref_slice %arg2[%mul3A_26] : memref<53248xf32, #tpu.memory_space<hbm>> -> memref<1664xf32, #tpu.memory_space<hbm>>
      %dma_wait3A_44 = tpu.memref_slice %arg2[%mul3A_26] : memref<53248xf32, #tpu.memory_space<hbm>> -> memref<1664xf32, #tpu.memory_space<hbm>>
      tpu.wait_dma2 semaphore(%run_scoped3A : memref<!tpu.dma_semaphore, #tpu.memory_space<semaphore_mem>>) src(%dma_wait3A_44 : memref<1664xf32, #tpu.memory_space<hbm>>) dst(%arg10 : memref<1664xf32, #tpu.memory_space<vmem>>)
      tpu.yield
    }) : () -> ()
    %mul3A_27 = arith.constant 1664 : i32
    %mul3A_28 = arith.muli %add3A, %mul3A_27 : i32
    "tpu.region"() ({
      %run_scoped3A = tpu.sem_alloc : memref<!tpu.dma_semaphore, #tpu.memory_space<semaphore_mem>>
      %dma_start3A = tpu.memref_slice %arg3[%mul3A_28] : memref<53248xf32, #tpu.memory_space<hbm>> -> memref<1664xf32, #tpu.memory_space<hbm>>
      %dma_start3A_43 = tpu.memref_slice %arg3[%mul3A_28] : memref<53248xf32, #tpu.memory_space<hbm>> -> memref<1664xf32, #tpu.memory_space<hbm>>
      tpu.enqueue_dma source(%dma_start3A_43 : memref<1664xf32, #tpu.memory_space<hbm>>) target(%arg11 : memref<1664xf32, #tpu.memory_space<vmem>>) target_semaphore(%run_scoped3A : memref<!tpu.dma_semaphore, #tpu.memory_space<semaphore_mem>>)
      %dma_wait3A = tpu.memref_slice %arg3[%mul3A_28] : memref<53248xf32, #tpu.memory_space<hbm>> -> memref<1664xf32, #tpu.memory_space<hbm>>
      %dma_wait3A_44 = tpu.memref_slice %arg3[%mul3A_28] : memref<53248xf32, #tpu.memory_space<hbm>> -> memref<1664xf32, #tpu.memory_space<hbm>>
      tpu.wait_dma2 semaphore(%run_scoped3A : memref<!tpu.dma_semaphore, #tpu.memory_space<semaphore_mem>>) src(%dma_wait3A_44 : memref<1664xf32, #tpu.memory_space<hbm>>) dst(%arg11 : memref<1664xf32, #tpu.memory_space<vmem>>)
      tpu.yield
    }) : () -> ()
    %mul3A_29 = arith.constant 1664 : i32
    %mul3A_30 = arith.muli %add3A, %mul3A_29 : i32
    "tpu.region"() ({
      %run_scoped3A = tpu.sem_alloc : memref<!tpu.dma_semaphore, #tpu.memory_space<semaphore_mem>>
      %dma_start3A = tpu.memref_slice %arg4[%mul3A_30] : memref<53248xf32, #tpu.memory_space<hbm>> -> memref<1664xf32, #tpu.memory_space<hbm>>
      %dma_start3A_43 = tpu.memref_slice %arg4[%mul3A_30] : memref<53248xf32, #tpu.memory_space<hbm>> -> memref<1664xf32, #tpu.memory_space<hbm>>
      tpu.enqueue_dma source(%dma_start3A_43 : memref<1664xf32, #tpu.memory_space<hbm>>) target(%arg12 : memref<1664xf32, #tpu.memory_space<vmem>>) target_semaphore(%run_scoped3A : memref<!tpu.dma_semaphore, #tpu.memory_space<semaphore_mem>>)
      %dma_wait3A = tpu.memref_slice %arg4[%mul3A_30] : memref<53248xf32, #tpu.memory_space<hbm>> -> memref<1664xf32, #tpu.memory_space<hbm>>
      %dma_wait3A_44 = tpu.memref_slice %arg4[%mul3A_30] : memref<53248xf32, #tpu.memory_space<hbm>> -> memref<1664xf32, #tpu.memory_space<hbm>>
      tpu.wait_dma2 semaphore(%run_scoped3A : memref<!tpu.dma_semaphore, #tpu.memory_space<semaphore_mem>>) src(%dma_wait3A_44 : memref<1664xf32, #tpu.memory_space<hbm>>) dst(%arg12 : memref<1664xf32, #tpu.memory_space<vmem>>)
      tpu.yield
    }) : () -> ()
    %barrier3A = arith.constant 0 : index
    tpu.barrier barrier_id(%barrier3A)
    "tpu.region"() ({
      %run_scoped3A = tpu.sem_alloc : memref<!tpu.dma_semaphore, #tpu.memory_space<semaphore_mem>>
      %dma_start3A = arith.constant 0 : i32
      %dma_start3A_43 = tpu.memref_slice %arg10[%dma_start3A] : memref<1664xf32, #tpu.memory_space<vmem>> -> memref<128xf32, #tpu.memory_space<vmem>>
      %dma_start3A_44 = arith.constant 0 : i32
      %dma_start3A_45 = tpu.memref_slice %arg9[%dma_start3A_44] : memref<1664xi32, #tpu.memory_space<vmem>> -> memref<128xi32, #tpu.memory_space<vmem>>
      %dma_start3A_46 = arith.constant 0 : i32
      %dma_start3A_47 = tpu.memref_slice %arg17[%dma_start3A_46] : memref<1024xf32, #tpu.memory_space<vmem_shared>> -> memref<1024xf32, #tpu.memory_space<vmem_shared>>
      tpu.enqueue_indirect_dma source(%dma_start3A_43 : memref<128xf32, #tpu.memory_space<vmem>>) target(%dma_start3A_47 : memref<1024xf32, #tpu.memory_space<vmem_shared>>) offsets(%dma_start3A_45 : memref<128xi32, #tpu.memory_space<vmem>>) semaphore(%run_scoped3A : memref<!tpu.dma_semaphore, #tpu.memory_space<semaphore_mem>>) {add = true}
      %dma_wait3A = arith.constant 0 : i32
      %dma_wait3A_48 = tpu.memref_slice %arg10[%dma_wait3A] : memref<1664xf32, #tpu.memory_space<vmem>> -> memref<128xf32, #tpu.memory_space<vmem>>
      %dma_wait3A_49 = arith.constant 0 : i32
      %dma_wait3A_50 = tpu.memref_slice %arg9[%dma_wait3A_49] : memref<1664xi32, #tpu.memory_space<vmem>> -> memref<128xi32, #tpu.memory_space<vmem>>
      %dma_wait3A_51 = arith.constant 0 : i32
      %dma_wait3A_52 = tpu.memref_slice %arg17[%dma_wait3A_51] : memref<1024xf32, #tpu.memory_space<vmem_shared>> -> memref<1024xf32, #tpu.memory_space<vmem_shared>>
      tpu.wait_indirect_dma semaphore(%run_scoped3A : memref<!tpu.dma_semaphore, #tpu.memory_space<semaphore_mem>>) src(%dma_wait3A_48 : memref<128xf32, #tpu.memory_space<vmem>>) dst(%dma_wait3A_52 : memref<1024xf32, #tpu.memory_space<vmem_shared>>)
      tpu.yield
    }) : () -> ()
    "tpu.region"() ({
      %run_scoped3A = tpu.sem_alloc : memref<!tpu.dma_semaphore, #tpu.memory_space<semaphore_mem>>
      %dma_start3A = arith.constant 0 : i32
      %dma_start3A_43 = tpu.memref_slice %arg11[%dma_start3A] : memref<1664xf32, #tpu.memory_space<vmem>> -> memref<128xf32, #tpu.memory_space<vmem>>
      %dma_start3A_44 = arith.constant 0 : i32
      %dma_start3A_45 = tpu.memref_slice %arg9[%dma_start3A_44] : memref<1664xi32, #tpu.memory_space<vmem>> -> memref<128xi32, #tpu.memory_space<vmem>>
      %dma_start3A_46 = arith.constant 0 : i32
      %dma_start3A_47 = tpu.memref_slice %arg18[%dma_start3A_46] : memref<1024xf32, #tpu.memory_space<vmem_shared>> -> memref<1024xf32, #tpu.memory_space<vmem_shared>>
      tpu.enqueue_indirect_dma source(%dma_start3A_43 : memref<128xf32, #tpu.memory_space<vmem>>) target(%dma_start3A_47 : memref<1024xf32, #tpu.memory_space<vmem_shared>>) offsets(%dma_start3A_45 : memref<128xi32, #tpu.memory_space<vmem>>) semaphore(%run_scoped3A : memref<!tpu.dma_semaphore, #tpu.memory_space<semaphore_mem>>) {add = true}
      %dma_wait3A = arith.constant 0 : i32
      %dma_wait3A_48 = tpu.memref_slice %arg11[%dma_wait3A] : memref<1664xf32, #tpu.memory_space<vmem>> -> memref<128xf32, #tpu.memory_space<vmem>>
      %dma_wait3A_49 = arith.constant 0 : i32
      %dma_wait3A_50 = tpu.memref_slice %arg9[%dma_wait3A_49] : memref<1664xi32, #tpu.memory_space<vmem>> -> memref<128xi32, #tpu.memory_space<vmem>>
      %dma_wait3A_51 = arith.constant 0 : i32
      %dma_wait3A_52 = tpu.memref_slice %arg18[%dma_wait3A_51] : memref<1024xf32, #tpu.memory_space<vmem_shared>> -> memref<1024xf32, #tpu.memory_space<vmem_shared>>
      tpu.wait_indirect_dma semaphore(%run_scoped3A : memref<!tpu.dma_semaphore, #tpu.memory_space<semaphore_mem>>) src(%dma_wait3A_48 : memref<128xf32, #tpu.memory_space<vmem>>) dst(%dma_wait3A_52 : memref<1024xf32, #tpu.memory_space<vmem_shared>>)
      tpu.yield
    }) : () -> ()
    "tpu.region"() ({
      %run_scoped3A = tpu.sem_alloc : memref<!tpu.dma_semaphore, #tpu.memory_space<semaphore_mem>>
      %dma_start3A = arith.constant 0 : i32
      %dma_start3A_43 = tpu.memref_slice %arg12[%dma_start3A] : memref<1664xf32, #tpu.memory_space<vmem>> -> memref<128xf32, #tpu.memory_space<vmem>>
      %dma_start3A_44 = arith.constant 0 : i32
      %dma_start3A_45 = tpu.memref_slice %arg9[%dma_start3A_44] : memref<1664xi32, #tpu.memory_space<vmem>> -> memref<128xi32, #tpu.memory_space<vmem>>
      %dma_start3A_46 = arith.constant 0 : i32
      %dma_start3A_47 = tpu.memref_slice %arg19[%dma_start3A_46] : memref<1024xf32, #tpu.memory_space<vmem_shared>> -> memref<1024xf32, #tpu.memory_space<vmem_shared>>
      tpu.enqueue_indirect_dma source(%dma_start3A_43 : memref<128xf32, #tpu.memory_space<vmem>>) target(%dma_start3A_47 : memref<1024xf32, #tpu.memory_space<vmem_shared>>) offsets(%dma_start3A_45 : memref<128xi32, #tpu.memory_space<vmem>>) semaphore(%run_scoped3A : memref<!tpu.dma_semaphore, #tpu.memory_space<semaphore_mem>>) {add = true}
      %dma_wait3A = arith.constant 0 : i32
      %dma_wait3A_48 = tpu.memref_slice %arg12[%dma_wait3A] : memref<1664xf32, #tpu.memory_space<vmem>> -> memref<128xf32, #tpu.memory_space<vmem>>
      %dma_wait3A_49 = arith.constant 0 : i32
      %dma_wait3A_50 = tpu.memref_slice %arg9[%dma_wait3A_49] : memref<1664xi32, #tpu.memory_space<vmem>> -> memref<128xi32, #tpu.memory_space<vmem>>
      %dma_wait3A_51 = arith.constant 0 : i32
      %dma_wait3A_52 = tpu.memref_slice %arg19[%dma_wait3A_51] : memref<1024xf32, #tpu.memory_space<vmem_shared>> -> memref<1024xf32, #tpu.memory_space<vmem_shared>>
      tpu.wait_indirect_dma semaphore(%run_scoped3A : memref<!tpu.dma_semaphore, #tpu.memory_space<semaphore_mem>>) src(%dma_wait3A_48 : memref<128xf32, #tpu.memory_space<vmem>>) dst(%dma_wait3A_52 : memref<1024xf32, #tpu.memory_space<vmem_shared>>)
      tpu.yield
    }) : () -> ()
    "tpu.region"() ({
      %run_scoped3A = tpu.sem_alloc : memref<!tpu.dma_semaphore, #tpu.memory_space<semaphore_mem>>
      %dma_start3A = arith.constant 128 : i32
      %dma_start3A_43 = tpu.memref_slice %arg10[%dma_start3A] : memref<1664xf32, #tpu.memory_space<vmem>> -> memref<128xf32, #tpu.memory_space<vmem>>
      %dma_start3A_44 = arith.constant 128 : i32
      %dma_start3A_45 = tpu.memref_slice %arg9[%dma_start3A_44] : memref<1664xi32, #tpu.memory_space<vmem>> -> memref<128xi32, #tpu.memory_space<vmem>>
      %dma_start3A_46 = arith.constant 0 : i32
      %dma_start3A_47 = tpu.memref_slice %arg17[%dma_start3A_46] : memref<1024xf32, #tpu.memory_space<vmem_shared>> -> memref<1024xf32, #tpu.memory_space<vmem_shared>>
      tpu.enqueue_indirect_dma source(%dma_start3A_43 : memref<128xf32, #tpu.memory_space<vmem>>) target(%dma_start3A_47 : memref<1024xf32, #tpu.memory_space<vmem_shared>>) offsets(%dma_start3A_45 : memref<128xi32, #tpu.memory_space<vmem>>) semaphore(%run_scoped3A : memref<!tpu.dma_semaphore, #tpu.memory_space<semaphore_mem>>) {add = true}
      %dma_wait3A = arith.constant 128 : i32
      %dma_wait3A_48 = tpu.memref_slice %arg10[%dma_wait3A] : memref<1664xf32, #tpu.memory_space<vmem>> -> memref<128xf32, #tpu.memory_space<vmem>>
      %dma_wait3A_49 = arith.constant 128 : i32
      %dma_wait3A_50 = tpu.memref_slice %arg9[%dma_wait3A_49] : memref<1664xi32, #tpu.memory_space<vmem>> -> memref<128xi32, #tpu.memory_space<vmem>>
      %dma_wait3A_51 = arith.constant 0 : i32
      %dma_wait3A_52 = tpu.memref_slice %arg17[%dma_wait3A_51] : memref<1024xf32, #tpu.memory_space<vmem_shared>> -> memref<1024xf32, #tpu.memory_space<vmem_shared>>
      tpu.wait_indirect_dma semaphore(%run_scoped3A : memref<!tpu.dma_semaphore, #tpu.memory_space<semaphore_mem>>) src(%dma_wait3A_48 : memref<128xf32, #tpu.memory_space<vmem>>) dst(%dma_wait3A_52 : memref<1024xf32, #tpu.memory_space<vmem_shared>>)
      tpu.yield
    }) : () -> ()
    "tpu.region"() ({
      %run_scoped3A = tpu.sem_alloc : memref<!tpu.dma_semaphore, #tpu.memory_space<semaphore_mem>>
      %dma_start3A = arith.constant 128 : i32
      %dma_start3A_43 = tpu.memref_slice %arg11[%dma_start3A] : memref<1664xf32, #tpu.memory_space<vmem>> -> memref<128xf32, #tpu.memory_space<vmem>>
      %dma_start3A_44 = arith.constant 128 : i32
      %dma_start3A_45 = tpu.memref_slice %arg9[%dma_start3A_44] : memref<1664xi32, #tpu.memory_space<vmem>> -> memref<128xi32, #tpu.memory_space<vmem>>
      %dma_start3A_46 = arith.constant 0 : i32
      %dma_start3A_47 = tpu.memref_slice %arg18[%dma_start3A_46] : memref<1024xf32, #tpu.memory_space<vmem_shared>> -> memref<1024xf32, #tpu.memory_space<vmem_shared>>
      tpu.enqueue_indirect_dma source(%dma_start3A_43 : memref<128xf32, #tpu.memory_space<vmem>>) target(%dma_start3A_47 : memref<1024xf32, #tpu.memory_space<vmem_shared>>) offsets(%dma_start3A_45 : memref<128xi32, #tpu.memory_space<vmem>>) semaphore(%run_scoped3A : memref<!tpu.dma_semaphore, #tpu.memory_space<semaphore_mem>>) {add = true}
      %dma_wait3A = arith.constant 128 : i32
      %dma_wait3A_48 = tpu.memref_slice %arg11[%dma_wait3A] : memref<1664xf32, #tpu.memory_space<vmem>> -> memref<128xf32, #tpu.memory_space<vmem>>
      %dma_wait3A_49 = arith.constant 128 : i32
      %dma_wait3A_50 = tpu.memref_slice %arg9[%dma_wait3A_49] : memref<1664xi32, #tpu.memory_space<vmem>> -> memref<128xi32, #tpu.memory_space<vmem>>
      %dma_wait3A_51 = arith.constant 0 : i32
      %dma_wait3A_52 = tpu.memref_slice %arg18[%dma_wait3A_51] : memref<1024xf32, #tpu.memory_space<vmem_shared>> -> memref<1024xf32, #tpu.memory_space<vmem_shared>>
      tpu.wait_indirect_dma semaphore(%run_scoped3A : memref<!tpu.dma_semaphore, #tpu.memory_space<semaphore_mem>>) src(%dma_wait3A_48 : memref<128xf32, #tpu.memory_space<vmem>>) dst(%dma_wait3A_52 : memref<1024xf32, #tpu.memory_space<vmem_shared>>)
      tpu.yield
    }) : () -> ()
    "tpu.region"() ({
      %run_scoped3A = tpu.sem_alloc : memref<!tpu.dma_semaphore, #tpu.memory_space<semaphore_mem>>
      %dma_start3A = arith.constant 128 : i32
      %dma_start3A_43 = tpu.memref_slice %arg12[%dma_start3A] : memref<1664xf32, #tpu.memory_space<vmem>> -> memref<128xf32, #tpu.memory_space<vmem>>
      %dma_start3A_44 = arith.constant 128 : i32
      %dma_start3A_45 = tpu.memref_slice %arg9[%dma_start3A_44] : memref<1664xi32, #tpu.memory_space<vmem>> -> memref<128xi32, #tpu.memory_space<vmem>>
      %dma_start3A_46 = arith.constant 0 : i32
      %dma_start3A_47 = tpu.memref_slice %arg19[%dma_start3A_46] : memref<1024xf32, #tpu.memory_space<vmem_shared>> -> memref<1024xf32, #tpu.memory_space<vmem_shared>>
      tpu.enqueue_indirect_dma source(%dma_start3A_43 : memref<128xf32, #tpu.memory_space<vmem>>) target(%dma_start3A_47 : memref<1024xf32, #tpu.memory_space<vmem_shared>>) offsets(%dma_start3A_45 : memref<128xi32, #tpu.memory_space<vmem>>) semaphore(%run_scoped3A : memref<!tpu.dma_semaphore, #tpu.memory_space<semaphore_mem>>) {add = true}
      %dma_wait3A = arith.constant 128 : i32
      %dma_wait3A_48 = tpu.memref_slice %arg12[%dma_wait3A] : memref<1664xf32, #tpu.memory_space<vmem>> -> memref<128xf32, #tpu.memory_space<vmem>>
      %dma_wait3A_49 = arith.constant 128 : i32
      %dma_wait3A_50 = tpu.memref_slice %arg9[%dma_wait3A_49] : memref<1664xi32, #tpu.memory_space<vmem>> -> memref<128xi32, #tpu.memory_space<vmem>>
      %dma_wait3A_51 = arith.constant 0 : i32
      %dma_wait3A_52 = tpu.memref_slice %arg19[%dma_wait3A_51] : memref<1024xf32, #tpu.memory_space<vmem_shared>> -> memref<1024xf32, #tpu.memory_space<vmem_shared>>
      tpu.wait_indirect_dma semaphore(%run_scoped3A : memref<!tpu.dma_semaphore, #tpu.memory_space<semaphore_mem>>) src(%dma_wait3A_48 : memref<128xf32, #tpu.memory_space<vmem>>) dst(%dma_wait3A_52 : memref<1024xf32, #tpu.memory_space<vmem_shared>>)
      tpu.yield
    }) : () -> ()
    "tpu.region"() ({
      %run_scoped3A = tpu.sem_alloc : memref<!tpu.dma_semaphore, #tpu.memory_space<semaphore_mem>>
      %dma_start3A = arith.constant 256 : i32
      %dma_start3A_43 = tpu.memref_slice %arg10[%dma_start3A] : memref<1664xf32, #tpu.memory_space<vmem>> -> memref<128xf32, #tpu.memory_space<vmem>>
      %dma_start3A_44 = arith.constant 256 : i32
      %dma_start3A_45 = tpu.memref_slice %arg9[%dma_start3A_44] : memref<1664xi32, #tpu.memory_space<vmem>> -> memref<128xi32, #tpu.memory_space<vmem>>
      %dma_start3A_46 = arith.constant 0 : i32
      %dma_start3A_47 = tpu.memref_slice %arg17[%dma_start3A_46] : memref<1024xf32, #tpu.memory_space<vmem_shared>> -> memref<1024xf32, #tpu.memory_space<vmem_shared>>
      tpu.enqueue_indirect_dma source(%dma_start3A_43 : memref<128xf32, #tpu.memory_space<vmem>>) target(%dma_start3A_47 : memref<1024xf32, #tpu.memory_space<vmem_shared>>) offsets(%dma_start3A_45 : memref<128xi32, #tpu.memory_space<vmem>>) semaphore(%run_scoped3A : memref<!tpu.dma_semaphore, #tpu.memory_space<semaphore_mem>>) {add = true}
      %dma_wait3A = arith.constant 256 : i32
      %dma_wait3A_48 = tpu.memref_slice %arg10[%dma_wait3A] : memref<1664xf32, #tpu.memory_space<vmem>> -> memref<128xf32, #tpu.memory_space<vmem>>
      %dma_wait3A_49 = arith.constant 256 : i32
      %dma_wait3A_50 = tpu.memref_slice %arg9[%dma_wait3A_49] : memref<1664xi32, #tpu.memory_space<vmem>> -> memref<128xi32, #tpu.memory_space<vmem>>
      %dma_wait3A_51 = arith.constant 0 : i32
      %dma_wait3A_52 = tpu.memref_slice %arg17[%dma_wait3A_51] : memref<1024xf32, #tpu.memory_space<vmem_shared>> -> memref<1024xf32, #tpu.memory_space<vmem_shared>>
      tpu.wait_indirect_dma semaphore(%run_scoped3A : memref<!tpu.dma_semaphore, #tpu.memory_space<semaphore_mem>>) src(%dma_wait3A_48 : memref<128xf32, #tpu.memory_space<vmem>>) dst(%dma_wait3A_52 : memref<1024xf32, #tpu.memory_space<vmem_shared>>)
      tpu.yield
    }) : () -> ()
    "tpu.region"() ({
      %run_scoped3A = tpu.sem_alloc : memref<!tpu.dma_semaphore, #tpu.memory_space<semaphore_mem>>
      %dma_start3A = arith.constant 256 : i32
      %dma_start3A_43 = tpu.memref_slice %arg11[%dma_start3A] : memref<1664xf32, #tpu.memory_space<vmem>> -> memref<128xf32, #tpu.memory_space<vmem>>
      %dma_start3A_44 = arith.constant 256 : i32
      %dma_start3A_45 = tpu.memref_slice %arg9[%dma_start3A_44] : memref<1664xi32, #tpu.memory_space<vmem>> -> memref<128xi32, #tpu.memory_space<vmem>>
      %dma_start3A_46 = arith.constant 0 : i32
      %dma_start3A_47 = tpu.memref_slice %arg18[%dma_start3A_46] : memref<1024xf32, #tpu.memory_space<vmem_shared>> -> memref<1024xf32, #tpu.memory_space<vmem_shared>>
      tpu.enqueue_indirect_dma source(%dma_start3A_43 : memref<128xf32, #tpu.memory_space<vmem>>) target(%dma_start3A_47 : memref<1024xf32, #tpu.memory_space<vmem_shared>>) offsets(%dma_start3A_45 : memref<128xi32, #tpu.memory_space<vmem>>) semaphore(%run_scoped3A : memref<!tpu.dma_semaphore, #tpu.memory_space<semaphore_mem>>) {add = true}
      %dma_wait3A = arith.constant 256 : i32
      %dma_wait3A_48 = tpu.memref_slice %arg11[%dma_wait3A] : memref<1664xf32, #tpu.memory_space<vmem>> -> memref<128xf32, #tpu.memory_space<vmem>>
      %dma_wait3A_49 = arith.constant 256 : i32
      %dma_wait3A_50 = tpu.memref_slice %arg9[%dma_wait3A_49] : memref<1664xi32, #tpu.memory_space<vmem>> -> memref<128xi32, #tpu.memory_space<vmem>>
      %dma_wait3A_51 = arith.constant 0 : i32
      %dma_wait3A_52 = tpu.memref_slice %arg18[%dma_wait3A_51] : memref<1024xf32, #tpu.memory_space<vmem_shared>> -> memref<1024xf32, #tpu.memory_space<vmem_shared>>
      tpu.wait_indirect_dma semaphore(%run_scoped3A : memref<!tpu.dma_semaphore, #tpu.memory_space<semaphore_mem>>) src(%dma_wait3A_48 : memref<128xf32, #tpu.memory_space<vmem>>) dst(%dma_wait3A_52 : memref<1024xf32, #tpu.memory_space<vmem_shared>>)
      tpu.yield
    }) : () -> ()
    "tpu.region"() ({
      %run_scoped3A = tpu.sem_alloc : memref<!tpu.dma_semaphore, #tpu.memory_space<semaphore_mem>>
      %dma_start3A = arith.constant 256 : i32
      %dma_start3A_43 = tpu.memref_slice %arg12[%dma_start3A] : memref<1664xf32, #tpu.memory_space<vmem>> -> memref<128xf32, #tpu.memory_space<vmem>>
      %dma_start3A_44 = arith.constant 256 : i32
      %dma_start3A_45 = tpu.memref_slice %arg9[%dma_start3A_44] : memref<1664xi32, #tpu.memory_space<vmem>> -> memref<128xi32, #tpu.memory_space<vmem>>
      %dma_start3A_46 = arith.constant 0 : i32
      %dma_start3A_47 = tpu.memref_slice %arg19[%dma_start3A_46] : memref<1024xf32, #tpu.memory_space<vmem_shared>> -> memref<1024xf32, #tpu.memory_space<vmem_shared>>
      tpu.enqueue_indirect_dma source(%dma_start3A_43 : memref<128xf32, #tpu.memory_space<vmem>>) target(%dma_start3A_47 : memref<1024xf32, #tpu.memory_space<vmem_shared>>) offsets(%dma_start3A_45 : memref<128xi32, #tpu.memory_space<vmem>>) semaphore(%run_scoped3A : memref<!tpu.dma_semaphore, #tpu.memory_space<semaphore_mem>>) {add = true}
      %dma_wait3A = arith.constant 256 : i32
      %dma_wait3A_48 = tpu.memref_slice %arg12[%dma_wait3A] : memref<1664xf32, #tpu.memory_space<vmem>> -> memref<128xf32, #tpu.memory_space<vmem>>
      %dma_wait3A_49 = arith.constant 256 : i32
      %dma_wait3A_50 = tpu.memref_slice %arg9[%dma_wait3A_49] : memref<1664xi32, #tpu.memory_space<vmem>> -> memref<128xi32, #tpu.memory_space<vmem>>
      %dma_wait3A_51 = arith.constant 0 : i32
      %dma_wait3A_52 = tpu.memref_slice %arg19[%dma_wait3A_51] : memref<1024xf32, #tpu.memory_space<vmem_shared>> -> memref<1024xf32, #tpu.memory_space<vmem_shared>>
      tpu.wait_indirect_dma semaphore(%run_scoped3A : memref<!tpu.dma_semaphore, #tpu.memory_space<semaphore_mem>>) src(%dma_wait3A_48 : memref<128xf32, #tpu.memory_space<vmem>>) dst(%dma_wait3A_52 : memref<1024xf32, #tpu.memory_space<vmem_shared>>)
      tpu.yield
    }) : () -> ()
    "tpu.region"() ({
      %run_scoped3A = tpu.sem_alloc : memref<!tpu.dma_semaphore, #tpu.memory_space<semaphore_mem>>
      %dma_start3A = arith.constant 384 : i32
      %dma_start3A_43 = tpu.memref_slice %arg10[%dma_start3A] : memref<1664xf32, #tpu.memory_space<vmem>> -> memref<128xf32, #tpu.memory_space<vmem>>
      %dma_start3A_44 = arith.constant 384 : i32
      %dma_start3A_45 = tpu.memref_slice %arg9[%dma_start3A_44] : memref<1664xi32, #tpu.memory_space<vmem>> -> memref<128xi32, #tpu.memory_space<vmem>>
      %dma_start3A_46 = arith.constant 0 : i32
      %dma_start3A_47 = tpu.memref_slice %arg17[%dma_start3A_46] : memref<1024xf32, #tpu.memory_space<vmem_shared>> -> memref<1024xf32, #tpu.memory_space<vmem_shared>>
      tpu.enqueue_indirect_dma source(%dma_start3A_43 : memref<128xf32, #tpu.memory_space<vmem>>) target(%dma_start3A_47 : memref<1024xf32, #tpu.memory_space<vmem_shared>>) offsets(%dma_start3A_45 : memref<128xi32, #tpu.memory_space<vmem>>) semaphore(%run_scoped3A : memref<!tpu.dma_semaphore, #tpu.memory_space<semaphore_mem>>) {add = true}
      %dma_wait3A = arith.constant 384 : i32
      %dma_wait3A_48 = tpu.memref_slice %arg10[%dma_wait3A] : memref<1664xf32, #tpu.memory_space<vmem>> -> memref<128xf32, #tpu.memory_space<vmem>>
      %dma_wait3A_49 = arith.constant 384 : i32
      %dma_wait3A_50 = tpu.memref_slice %arg9[%dma_wait3A_49] : memref<1664xi32, #tpu.memory_space<vmem>> -> memref<128xi32, #tpu.memory_space<vmem>>
      %dma_wait3A_51 = arith.constant 0 : i32
      %dma_wait3A_52 = tpu.memref_slice %arg17[%dma_wait3A_51] : memref<1024xf32, #tpu.memory_space<vmem_shared>> -> memref<1024xf32, #tpu.memory_space<vmem_shared>>
      tpu.wait_indirect_dma semaphore(%run_scoped3A : memref<!tpu.dma_semaphore, #tpu.memory_space<semaphore_mem>>) src(%dma_wait3A_48 : memref<128xf32, #tpu.memory_space<vmem>>) dst(%dma_wait3A_52 : memref<1024xf32, #tpu.memory_space<vmem_shared>>)
      tpu.yield
    }) : () -> ()
    "tpu.region"() ({
      %run_scoped3A = tpu.sem_alloc : memref<!tpu.dma_semaphore, #tpu.memory_space<semaphore_mem>>
      %dma_start3A = arith.constant 384 : i32
      %dma_start3A_43 = tpu.memref_slice %arg11[%dma_start3A] : memref<1664xf32, #tpu.memory_space<vmem>> -> memref<128xf32, #tpu.memory_space<vmem>>
      %dma_start3A_44 = arith.constant 384 : i32
      %dma_start3A_45 = tpu.memref_slice %arg9[%dma_start3A_44] : memref<1664xi32, #tpu.memory_space<vmem>> -> memref<128xi32, #tpu.memory_space<vmem>>
      %dma_start3A_46 = arith.constant 0 : i32
      %dma_start3A_47 = tpu.memref_slice %arg18[%dma_start3A_46] : memref<1024xf32, #tpu.memory_space<vmem_shared>> -> memref<1024xf32, #tpu.memory_space<vmem_shared>>
      tpu.enqueue_indirect_dma source(%dma_start3A_43 : memref<128xf32, #tpu.memory_space<vmem>>) target(%dma_start3A_47 : memref<1024xf32, #tpu.memory_space<vmem_shared>>) offsets(%dma_start3A_45 : memref<128xi32, #tpu.memory_space<vmem>>) semaphore(%run_scoped3A : memref<!tpu.dma_semaphore, #tpu.memory_space<semaphore_mem>>) {add = true}
      %dma_wait3A = arith.constant 384 : i32
      %dma_wait3A_48 = tpu.memref_slice %arg11[%dma_wait3A] : memref<1664xf32, #tpu.memory_space<vmem>> -> memref<128xf32, #tpu.memory_space<vmem>>
      %dma_wait3A_49 = arith.constant 384 : i32
      %dma_wait3A_50 = tpu.memref_slice %arg9[%dma_wait3A_49] : memref<1664xi32, #tpu.memory_space<vmem>> -> memref<128xi32, #tpu.memory_space<vmem>>
      %dma_wait3A_51 = arith.constant 0 : i32
      %dma_wait3A_52 = tpu.memref_slice %arg18[%dma_wait3A_51] : memref<1024xf32, #tpu.memory_space<vmem_shared>> -> memref<1024xf32, #tpu.memory_space<vmem_shared>>
      tpu.wait_indirect_dma semaphore(%run_scoped3A : memref<!tpu.dma_semaphore, #tpu.memory_space<semaphore_mem>>) src(%dma_wait3A_48 : memref<128xf32, #tpu.memory_space<vmem>>) dst(%dma_wait3A_52 : memref<1024xf32, #tpu.memory_space<vmem_shared>>)
      tpu.yield
    }) : () -> ()
    "tpu.region"() ({
      %run_scoped3A = tpu.sem_alloc : memref<!tpu.dma_semaphore, #tpu.memory_space<semaphore_mem>>
      %dma_start3A = arith.constant 384 : i32
      %dma_start3A_43 = tpu.memref_slice %arg12[%dma_start3A] : memref<1664xf32, #tpu.memory_space<vmem>> -> memref<128xf32, #tpu.memory_space<vmem>>
      %dma_start3A_44 = arith.constant 384 : i32
      %dma_start3A_45 = tpu.memref_slice %arg9[%dma_start3A_44] : memref<1664xi32, #tpu.memory_space<vmem>> -> memref<128xi32, #tpu.memory_space<vmem>>
      %dma_start3A_46 = arith.constant 0 : i32
      %dma_start3A_47 = tpu.memref_slice %arg19[%dma_start3A_46] : memref<1024xf32, #tpu.memory_space<vmem_shared>> -> memref<1024xf32, #tpu.memory_space<vmem_shared>>
      tpu.enqueue_indirect_dma source(%dma_start3A_43 : memref<128xf32, #tpu.memory_space<vmem>>) target(%dma_start3A_47 : memref<1024xf32, #tpu.memory_space<vmem_shared>>) offsets(%dma_start3A_45 : memref<128xi32, #tpu.memory_space<vmem>>) semaphore(%run_scoped3A : memref<!tpu.dma_semaphore, #tpu.memory_space<semaphore_mem>>) {add = true}
      %dma_wait3A = arith.constant 384 : i32
      %dma_wait3A_48 = tpu.memref_slice %arg12[%dma_wait3A] : memref<1664xf32, #tpu.memory_space<vmem>> -> memref<128xf32, #tpu.memory_space<vmem>>
      %dma_wait3A_49 = arith.constant 384 : i32
      %dma_wait3A_50 = tpu.memref_slice %arg9[%dma_wait3A_49] : memref<1664xi32, #tpu.memory_space<vmem>> -> memref<128xi32, #tpu.memory_space<vmem>>
      %dma_wait3A_51 = arith.constant 0 : i32
      %dma_wait3A_52 = tpu.memref_slice %arg19[%dma_wait3A_51] : memref<1024xf32, #tpu.memory_space<vmem_shared>> -> memref<1024xf32, #tpu.memory_space<vmem_shared>>
      tpu.wait_indirect_dma semaphore(%run_scoped3A : memref<!tpu.dma_semaphore, #tpu.memory_space<semaphore_mem>>) src(%dma_wait3A_48 : memref<128xf32, #tpu.memory_space<vmem>>) dst(%dma_wait3A_52 : memref<1024xf32, #tpu.memory_space<vmem_shared>>)
      tpu.yield
    }) : () -> ()
    "tpu.region"() ({
      %run_scoped3A = tpu.sem_alloc : memref<!tpu.dma_semaphore, #tpu.memory_space<semaphore_mem>>
      %dma_start3A = arith.constant 512 : i32
      %dma_start3A_43 = tpu.memref_slice %arg10[%dma_start3A] : memref<1664xf32, #tpu.memory_space<vmem>> -> memref<128xf32, #tpu.memory_space<vmem>>
      %dma_start3A_44 = arith.constant 512 : i32
      %dma_start3A_45 = tpu.memref_slice %arg9[%dma_start3A_44] : memref<1664xi32, #tpu.memory_space<vmem>> -> memref<128xi32, #tpu.memory_space<vmem>>
      %dma_start3A_46 = arith.constant 0 : i32
      %dma_start3A_47 = tpu.memref_slice %arg17[%dma_start3A_46] : memref<1024xf32, #tpu.memory_space<vmem_shared>> -> memref<1024xf32, #tpu.memory_space<vmem_shared>>
      tpu.enqueue_indirect_dma source(%dma_start3A_43 : memref<128xf32, #tpu.memory_space<vmem>>) target(%dma_start3A_47 : memref<1024xf32, #tpu.memory_space<vmem_shared>>) offsets(%dma_start3A_45 : memref<128xi32, #tpu.memory_space<vmem>>) semaphore(%run_scoped3A : memref<!tpu.dma_semaphore, #tpu.memory_space<semaphore_mem>>) {add = true}
      %dma_wait3A = arith.constant 512 : i32
      %dma_wait3A_48 = tpu.memref_slice %arg10[%dma_wait3A] : memref<1664xf32, #tpu.memory_space<vmem>> -> memref<128xf32, #tpu.memory_space<vmem>>
      %dma_wait3A_49 = arith.constant 512 : i32
      %dma_wait3A_50 = tpu.memref_slice %arg9[%dma_wait3A_49] : memref<1664xi32, #tpu.memory_space<vmem>> -> memref<128xi32, #tpu.memory_space<vmem>>
      %dma_wait3A_51 = arith.constant 0 : i32
      %dma_wait3A_52 = tpu.memref_slice %arg17[%dma_wait3A_51] : memref<1024xf32, #tpu.memory_space<vmem_shared>> -> memref<1024xf32, #tpu.memory_space<vmem_shared>>
      tpu.wait_indirect_dma semaphore(%run_scoped3A : memref<!tpu.dma_semaphore, #tpu.memory_space<semaphore_mem>>) src(%dma_wait3A_48 : memref<128xf32, #tpu.memory_space<vmem>>) dst(%dma_wait3A_52 : memref<1024xf32, #tpu.memory_space<vmem_shared>>)
      tpu.yield
    }) : () -> ()
    "tpu.region"() ({
      %run_scoped3A = tpu.sem_alloc : memref<!tpu.dma_semaphore, #tpu.memory_space<semaphore_mem>>
      %dma_start3A = arith.constant 512 : i32
      %dma_start3A_43 = tpu.memref_slice %arg11[%dma_start3A] : memref<1664xf32, #tpu.memory_space<vmem>> -> memref<128xf32, #tpu.memory_space<vmem>>
      %dma_start3A_44 = arith.constant 512 : i32
      %dma_start3A_45 = tpu.memref_slice %arg9[%dma_start3A_44] : memref<1664xi32, #tpu.memory_space<vmem>> -> memref<128xi32, #tpu.memory_space<vmem>>
      %dma_start3A_46 = arith.constant 0 : i32
      %dma_start3A_47 = tpu.memref_slice %arg18[%dma_start3A_46] : memref<1024xf32, #tpu.memory_space<vmem_shared>> -> memref<1024xf32, #tpu.memory_space<vmem_shared>>
      tpu.enqueue_indirect_dma source(%dma_start3A_43 : memref<128xf32, #tpu.memory_space<vmem>>) target(%dma_start3A_47 : memref<1024xf32, #tpu.memory_space<vmem_shared>>) offsets(%dma_start3A_45 : memref<128xi32, #tpu.memory_space<vmem>>) semaphore(%run_scoped3A : memref<!tpu.dma_semaphore, #tpu.memory_space<semaphore_mem>>) {add = true}
      %dma_wait3A = arith.constant 512 : i32
      %dma_wait3A_48 = tpu.memref_slice %arg11[%dma_wait3A] : memref<1664xf32, #tpu.memory_space<vmem>> -> memref<128xf32, #tpu.memory_space<vmem>>
      %dma_wait3A_49 = arith.constant 512 : i32
      %dma_wait3A_50 = tpu.memref_slice %arg9[%dma_wait3A_49] : memref<1664xi32, #tpu.memory_space<vmem>> -> memref<128xi32, #tpu.memory_space<vmem>>
      %dma_wait3A_51 = arith.constant 0 : i32
      %dma_wait3A_52 = tpu.memref_slice %arg18[%dma_wait3A_51] : memref<1024xf32, #tpu.memory_space<vmem_shared>> -> memref<1024xf32, #tpu.memory_space<vmem_shared>>
      tpu.wait_indirect_dma semaphore(%run_scoped3A : memref<!tpu.dma_semaphore, #tpu.memory_space<semaphore_mem>>) src(%dma_wait3A_48 : memref<128xf32, #tpu.memory_space<vmem>>) dst(%dma_wait3A_52 : memref<1024xf32, #tpu.memory_space<vmem_shared>>)
      tpu.yield
    }) : () -> ()
    "tpu.region"() ({
      %run_scoped3A = tpu.sem_alloc : memref<!tpu.dma_semaphore, #tpu.memory_space<semaphore_mem>>
      %dma_start3A = arith.constant 512 : i32
      %dma_start3A_43 = tpu.memref_slice %arg12[%dma_start3A] : memref<1664xf32, #tpu.memory_space<vmem>> -> memref<128xf32, #tpu.memory_space<vmem>>
      %dma_start3A_44 = arith.constant 512 : i32
      %dma_start3A_45 = tpu.memref_slice %arg9[%dma_start3A_44] : memref<1664xi32, #tpu.memory_space<vmem>> -> memref<128xi32, #tpu.memory_space<vmem>>
      %dma_start3A_46 = arith.constant 0 : i32
      %dma_start3A_47 = tpu.memref_slice %arg19[%dma_start3A_46] : memref<1024xf32, #tpu.memory_space<vmem_shared>> -> memref<1024xf32, #tpu.memory_space<vmem_shared>>
      tpu.enqueue_indirect_dma source(%dma_start3A_43 : memref<128xf32, #tpu.memory_space<vmem>>) target(%dma_start3A_47 : memref<1024xf32, #tpu.memory_space<vmem_shared>>) offsets(%dma_start3A_45 : memref<128xi32, #tpu.memory_space<vmem>>) semaphore(%run_scoped3A : memref<!tpu.dma_semaphore, #tpu.memory_space<semaphore_mem>>) {add = true}
      %dma_wait3A = arith.constant 512 : i32
      %dma_wait3A_48 = tpu.memref_slice %arg12[%dma_wait3A] : memref<1664xf32, #tpu.memory_space<vmem>> -> memref<128xf32, #tpu.memory_space<vmem>>
      %dma_wait3A_49 = arith.constant 512 : i32
      %dma_wait3A_50 = tpu.memref_slice %arg9[%dma_wait3A_49] : memref<1664xi32, #tpu.memory_space<vmem>> -> memref<128xi32, #tpu.memory_space<vmem>>
      %dma_wait3A_51 = arith.constant 0 : i32
      %dma_wait3A_52 = tpu.memref_slice %arg19[%dma_wait3A_51] : memref<1024xf32, #tpu.memory_space<vmem_shared>> -> memref<1024xf32, #tpu.memory_space<vmem_shared>>
      tpu.wait_indirect_dma semaphore(%run_scoped3A : memref<!tpu.dma_semaphore, #tpu.memory_space<semaphore_mem>>) src(%dma_wait3A_48 : memref<128xf32, #tpu.memory_space<vmem>>) dst(%dma_wait3A_52 : memref<1024xf32, #tpu.memory_space<vmem_shared>>)
      tpu.yield
    }) : () -> ()
    "tpu.region"() ({
      %run_scoped3A = tpu.sem_alloc : memref<!tpu.dma_semaphore, #tpu.memory_space<semaphore_mem>>
      %dma_start3A = arith.constant 640 : i32
      %dma_start3A_43 = tpu.memref_slice %arg10[%dma_start3A] : memref<1664xf32, #tpu.memory_space<vmem>> -> memref<128xf32, #tpu.memory_space<vmem>>
      %dma_start3A_44 = arith.constant 640 : i32
      %dma_start3A_45 = tpu.memref_slice %arg9[%dma_start3A_44] : memref<1664xi32, #tpu.memory_space<vmem>> -> memref<128xi32, #tpu.memory_space<vmem>>
      %dma_start3A_46 = arith.constant 0 : i32
      %dma_start3A_47 = tpu.memref_slice %arg17[%dma_start3A_46] : memref<1024xf32, #tpu.memory_space<vmem_shared>> -> memref<1024xf32, #tpu.memory_space<vmem_shared>>
      tpu.enqueue_indirect_dma source(%dma_start3A_43 : memref<128xf32, #tpu.memory_space<vmem>>) target(%dma_start3A_47 : memref<1024xf32, #tpu.memory_space<vmem_shared>>) offsets(%dma_start3A_45 : memref<128xi32, #tpu.memory_space<vmem>>) semaphore(%run_scoped3A : memref<!tpu.dma_semaphore, #tpu.memory_space<semaphore_mem>>) {add = true}
      %dma_wait3A = arith.constant 640 : i32
      %dma_wait3A_48 = tpu.memref_slice %arg10[%dma_wait3A] : memref<1664xf32, #tpu.memory_space<vmem>> -> memref<128xf32, #tpu.memory_space<vmem>>
      %dma_wait3A_49 = arith.constant 640 : i32
      %dma_wait3A_50 = tpu.memref_slice %arg9[%dma_wait3A_49] : memref<1664xi32, #tpu.memory_space<vmem>> -> memref<128xi32, #tpu.memory_space<vmem>>
      %dma_wait3A_51 = arith.constant 0 : i32
      %dma_wait3A_52 = tpu.memref_slice %arg17[%dma_wait3A_51] : memref<1024xf32, #tpu.memory_space<vmem_shared>> -> memref<1024xf32, #tpu.memory_space<vmem_shared>>
      tpu.wait_indirect_dma semaphore(%run_scoped3A : memref<!tpu.dma_semaphore, #tpu.memory_space<semaphore_mem>>) src(%dma_wait3A_48 : memref<128xf32, #tpu.memory_space<vmem>>) dst(%dma_wait3A_52 : memref<1024xf32, #tpu.memory_space<vmem_shared>>)
      tpu.yield
    }) : () -> ()
    "tpu.region"() ({
      %run_scoped3A = tpu.sem_alloc : memref<!tpu.dma_semaphore, #tpu.memory_space<semaphore_mem>>
      %dma_start3A = arith.constant 640 : i32
      %dma_start3A_43 = tpu.memref_slice %arg11[%dma_start3A] : memref<1664xf32, #tpu.memory_space<vmem>> -> memref<128xf32, #tpu.memory_space<vmem>>
      %dma_start3A_44 = arith.constant 640 : i32
      %dma_start3A_45 = tpu.memref_slice %arg9[%dma_start3A_44] : memref<1664xi32, #tpu.memory_space<vmem>> -> memref<128xi32, #tpu.memory_space<vmem>>
      %dma_start3A_46 = arith.constant 0 : i32
      %dma_start3A_47 = tpu.memref_slice %arg18[%dma_start3A_46] : memref<1024xf32, #tpu.memory_space<vmem_shared>> -> memref<1024xf32, #tpu.memory_space<vmem_shared>>
      tpu.enqueue_indirect_dma source(%dma_start3A_43 : memref<128xf32, #tpu.memory_space<vmem>>) target(%dma_start3A_47 : memref<1024xf32, #tpu.memory_space<vmem_shared>>) offsets(%dma_start3A_45 : memref<128xi32, #tpu.memory_space<vmem>>) semaphore(%run_scoped3A : memref<!tpu.dma_semaphore, #tpu.memory_space<semaphore_mem>>) {add = true}
      %dma_wait3A = arith.constant 640 : i32
      %dma_wait3A_48 = tpu.memref_slice %arg11[%dma_wait3A] : memref<1664xf32, #tpu.memory_space<vmem>> -> memref<128xf32, #tpu.memory_space<vmem>>
      %dma_wait3A_49 = arith.constant 640 : i32
      %dma_wait3A_50 = tpu.memref_slice %arg9[%dma_wait3A_49] : memref<1664xi32, #tpu.memory_space<vmem>> -> memref<128xi32, #tpu.memory_space<vmem>>
      %dma_wait3A_51 = arith.constant 0 : i32
      %dma_wait3A_52 = tpu.memref_slice %arg18[%dma_wait3A_51] : memref<1024xf32, #tpu.memory_space<vmem_shared>> -> memref<1024xf32, #tpu.memory_space<vmem_shared>>
      tpu.wait_indirect_dma semaphore(%run_scoped3A : memref<!tpu.dma_semaphore, #tpu.memory_space<semaphore_mem>>) src(%dma_wait3A_48 : memref<128xf32, #tpu.memory_space<vmem>>) dst(%dma_wait3A_52 : memref<1024xf32, #tpu.memory_space<vmem_shared>>)
      tpu.yield
    }) : () -> ()
    "tpu.region"() ({
      %run_scoped3A = tpu.sem_alloc : memref<!tpu.dma_semaphore, #tpu.memory_space<semaphore_mem>>
      %dma_start3A = arith.constant 640 : i32
      %dma_start3A_43 = tpu.memref_slice %arg12[%dma_start3A] : memref<1664xf32, #tpu.memory_space<vmem>> -> memref<128xf32, #tpu.memory_space<vmem>>
      %dma_start3A_44 = arith.constant 640 : i32
      %dma_start3A_45 = tpu.memref_slice %arg9[%dma_start3A_44] : memref<1664xi32, #tpu.memory_space<vmem>> -> memref<128xi32, #tpu.memory_space<vmem>>
      %dma_start3A_46 = arith.constant 0 : i32
      %dma_start3A_47 = tpu.memref_slice %arg19[%dma_start3A_46] : memref<1024xf32, #tpu.memory_space<vmem_shared>> -> memref<1024xf32, #tpu.memory_space<vmem_shared>>
      tpu.enqueue_indirect_dma source(%dma_start3A_43 : memref<128xf32, #tpu.memory_space<vmem>>) target(%dma_start3A_47 : memref<1024xf32, #tpu.memory_space<vmem_shared>>) offsets(%dma_start3A_45 : memref<128xi32, #tpu.memory_space<vmem>>) semaphore(%run_scoped3A : memref<!tpu.dma_semaphore, #tpu.memory_space<semaphore_mem>>) {add = true}
      %dma_wait3A = arith.constant 640 : i32
      %dma_wait3A_48 = tpu.memref_slice %arg12[%dma_wait3A] : memref<1664xf32, #tpu.memory_space<vmem>> -> memref<128xf32, #tpu.memory_space<vmem>>
      %dma_wait3A_49 = arith.constant 640 : i32
      %dma_wait3A_50 = tpu.memref_slice %arg9[%dma_wait3A_49] : memref<1664xi32, #tpu.memory_space<vmem>> -> memref<128xi32, #tpu.memory_space<vmem>>
      %dma_wait3A_51 = arith.constant 0 : i32
      %dma_wait3A_52 = tpu.memref_slice %arg19[%dma_wait3A_51] : memref<1024xf32, #tpu.memory_space<vmem_shared>> -> memref<1024xf32, #tpu.memory_space<vmem_shared>>
      tpu.wait_indirect_dma semaphore(%run_scoped3A : memref<!tpu.dma_semaphore, #tpu.memory_space<semaphore_mem>>) src(%dma_wait3A_48 : memref<128xf32, #tpu.memory_space<vmem>>) dst(%dma_wait3A_52 : memref<1024xf32, #tpu.memory_space<vmem_shared>>)
      tpu.yield
    }) : () -> ()
    "tpu.region"() ({
      %run_scoped3A = tpu.sem_alloc : memref<!tpu.dma_semaphore, #tpu.memory_space<semaphore_mem>>
      %dma_start3A = arith.constant 768 : i32
      %dma_start3A_43 = tpu.memref_slice %arg10[%dma_start3A] : memref<1664xf32, #tpu.memory_space<vmem>> -> memref<128xf32, #tpu.memory_space<vmem>>
      %dma_start3A_44 = arith.constant 768 : i32
      %dma_start3A_45 = tpu.memref_slice %arg9[%dma_start3A_44] : memref<1664xi32, #tpu.memory_space<vmem>> -> memref<128xi32, #tpu.memory_space<vmem>>
      %dma_start3A_46 = arith.constant 0 : i32
      %dma_start3A_47 = tpu.memref_slice %arg17[%dma_start3A_46] : memref<1024xf32, #tpu.memory_space<vmem_shared>> -> memref<1024xf32, #tpu.memory_space<vmem_shared>>
      tpu.enqueue_indirect_dma source(%dma_start3A_43 : memref<128xf32, #tpu.memory_space<vmem>>) target(%dma_start3A_47 : memref<1024xf32, #tpu.memory_space<vmem_shared>>) offsets(%dma_start3A_45 : memref<128xi32, #tpu.memory_space<vmem>>) semaphore(%run_scoped3A : memref<!tpu.dma_semaphore, #tpu.memory_space<semaphore_mem>>) {add = true}
      %dma_wait3A = arith.constant 768 : i32
      %dma_wait3A_48 = tpu.memref_slice %arg10[%dma_wait3A] : memref<1664xf32, #tpu.memory_space<vmem>> -> memref<128xf32, #tpu.memory_space<vmem>>
      %dma_wait3A_49 = arith.constant 768 : i32
      %dma_wait3A_50 = tpu.memref_slice %arg9[%dma_wait3A_49] : memref<1664xi32, #tpu.memory_space<vmem>> -> memref<128xi32, #tpu.memory_space<vmem>>
      %dma_wait3A_51 = arith.constant 0 : i32
      %dma_wait3A_52 = tpu.memref_slice %arg17[%dma_wait3A_51] : memref<1024xf32, #tpu.memory_space<vmem_shared>> -> memref<1024xf32, #tpu.memory_space<vmem_shared>>
      tpu.wait_indirect_dma semaphore(%run_scoped3A : memref<!tpu.dma_semaphore, #tpu.memory_space<semaphore_mem>>) src(%dma_wait3A_48 : memref<128xf32, #tpu.memory_space<vmem>>) dst(%dma_wait3A_52 : memref<1024xf32, #tpu.memory_space<vmem_shared>>)
      tpu.yield
    }) : () -> ()
    "tpu.region"() ({
      %run_scoped3A = tpu.sem_alloc : memref<!tpu.dma_semaphore, #tpu.memory_space<semaphore_mem>>
      %dma_start3A = arith.constant 768 : i32
      %dma_start3A_43 = tpu.memref_slice %arg11[%dma_start3A] : memref<1664xf32, #tpu.memory_space<vmem>> -> memref<128xf32, #tpu.memory_space<vmem>>
      %dma_start3A_44 = arith.constant 768 : i32
      %dma_start3A_45 = tpu.memref_slice %arg9[%dma_start3A_44] : memref<1664xi32, #tpu.memory_space<vmem>> -> memref<128xi32, #tpu.memory_space<vmem>>
      %dma_start3A_46 = arith.constant 0 : i32
      %dma_start3A_47 = tpu.memref_slice %arg18[%dma_start3A_46] : memref<1024xf32, #tpu.memory_space<vmem_shared>> -> memref<1024xf32, #tpu.memory_space<vmem_shared>>
      tpu.enqueue_indirect_dma source(%dma_start3A_43 : memref<128xf32, #tpu.memory_space<vmem>>) target(%dma_start3A_47 : memref<1024xf32, #tpu.memory_space<vmem_shared>>) offsets(%dma_start3A_45 : memref<128xi32, #tpu.memory_space<vmem>>) semaphore(%run_scoped3A : memref<!tpu.dma_semaphore, #tpu.memory_space<semaphore_mem>>) {add = true}
      %dma_wait3A = arith.constant 768 : i32
      %dma_wait3A_48 = tpu.memref_slice %arg11[%dma_wait3A] : memref<1664xf32, #tpu.memory_space<vmem>> -> memref<128xf32, #tpu.memory_space<vmem>>
      %dma_wait3A_49 = arith.constant 768 : i32
      %dma_wait3A_50 = tpu.memref_slice %arg9[%dma_wait3A_49] : memref<1664xi32, #tpu.memory_space<vmem>> -> memref<128xi32, #tpu.memory_space<vmem>>
      %dma_wait3A_51 = arith.constant 0 : i32
      %dma_wait3A_52 = tpu.memref_slice %arg18[%dma_wait3A_51] : memref<1024xf32, #tpu.memory_space<vmem_shared>> -> memref<1024xf32, #tpu.memory_space<vmem_shared>>
      tpu.wait_indirect_dma semaphore(%run_scoped3A : memref<!tpu.dma_semaphore, #tpu.memory_space<semaphore_mem>>) src(%dma_wait3A_48 : memref<128xf32, #tpu.memory_space<vmem>>) dst(%dma_wait3A_52 : memref<1024xf32, #tpu.memory_space<vmem_shared>>)
      tpu.yield
    }) : () -> ()
    "tpu.region"() ({
      %run_scoped3A = tpu.sem_alloc : memref<!tpu.dma_semaphore, #tpu.memory_space<semaphore_mem>>
      %dma_start3A = arith.constant 768 : i32
      %dma_start3A_43 = tpu.memref_slice %arg12[%dma_start3A] : memref<1664xf32, #tpu.memory_space<vmem>> -> memref<128xf32, #tpu.memory_space<vmem>>
      %dma_start3A_44 = arith.constant 768 : i32
      %dma_start3A_45 = tpu.memref_slice %arg9[%dma_start3A_44] : memref<1664xi32, #tpu.memory_space<vmem>> -> memref<128xi32, #tpu.memory_space<vmem>>
      %dma_start3A_46 = arith.constant 0 : i32
      %dma_start3A_47 = tpu.memref_slice %arg19[%dma_start3A_46] : memref<1024xf32, #tpu.memory_space<vmem_shared>> -> memref<1024xf32, #tpu.memory_space<vmem_shared>>
      tpu.enqueue_indirect_dma source(%dma_start3A_43 : memref<128xf32, #tpu.memory_space<vmem>>) target(%dma_start3A_47 : memref<1024xf32, #tpu.memory_space<vmem_shared>>) offsets(%dma_start3A_45 : memref<128xi32, #tpu.memory_space<vmem>>) semaphore(%run_scoped3A : memref<!tpu.dma_semaphore, #tpu.memory_space<semaphore_mem>>) {add = true}
      %dma_wait3A = arith.constant 768 : i32
      %dma_wait3A_48 = tpu.memref_slice %arg12[%dma_wait3A] : memref<1664xf32, #tpu.memory_space<vmem>> -> memref<128xf32, #tpu.memory_space<vmem>>
      %dma_wait3A_49 = arith.constant 768 : i32
      %dma_wait3A_50 = tpu.memref_slice %arg9[%dma_wait3A_49] : memref<1664xi32, #tpu.memory_space<vmem>> -> memref<128xi32, #tpu.memory_space<vmem>>
      %dma_wait3A_51 = arith.constant 0 : i32
      %dma_wait3A_52 = tpu.memref_slice %arg19[%dma_wait3A_51] : memref<1024xf32, #tpu.memory_space<vmem_shared>> -> memref<1024xf32, #tpu.memory_space<vmem_shared>>
      tpu.wait_indirect_dma semaphore(%run_scoped3A : memref<!tpu.dma_semaphore, #tpu.memory_space<semaphore_mem>>) src(%dma_wait3A_48 : memref<128xf32, #tpu.memory_space<vmem>>) dst(%dma_wait3A_52 : memref<1024xf32, #tpu.memory_space<vmem_shared>>)
      tpu.yield
    }) : () -> ()
    "tpu.region"() ({
      %run_scoped3A = tpu.sem_alloc : memref<!tpu.dma_semaphore, #tpu.memory_space<semaphore_mem>>
      %dma_start3A = arith.constant 896 : i32
      %dma_start3A_43 = tpu.memref_slice %arg10[%dma_start3A] : memref<1664xf32, #tpu.memory_space<vmem>> -> memref<128xf32, #tpu.memory_space<vmem>>
      %dma_start3A_44 = arith.constant 896 : i32
      %dma_start3A_45 = tpu.memref_slice %arg9[%dma_start3A_44] : memref<1664xi32, #tpu.memory_space<vmem>> -> memref<128xi32, #tpu.memory_space<vmem>>
      %dma_start3A_46 = arith.constant 0 : i32
      %dma_start3A_47 = tpu.memref_slice %arg17[%dma_start3A_46] : memref<1024xf32, #tpu.memory_space<vmem_shared>> -> memref<1024xf32, #tpu.memory_space<vmem_shared>>
      tpu.enqueue_indirect_dma source(%dma_start3A_43 : memref<128xf32, #tpu.memory_space<vmem>>) target(%dma_start3A_47 : memref<1024xf32, #tpu.memory_space<vmem_shared>>) offsets(%dma_start3A_45 : memref<128xi32, #tpu.memory_space<vmem>>) semaphore(%run_scoped3A : memref<!tpu.dma_semaphore, #tpu.memory_space<semaphore_mem>>) {add = true}
      %dma_wait3A = arith.constant 896 : i32
      %dma_wait3A_48 = tpu.memref_slice %arg10[%dma_wait3A] : memref<1664xf32, #tpu.memory_space<vmem>> -> memref<128xf32, #tpu.memory_space<vmem>>
      %dma_wait3A_49 = arith.constant 896 : i32
      %dma_wait3A_50 = tpu.memref_slice %arg9[%dma_wait3A_49] : memref<1664xi32, #tpu.memory_space<vmem>> -> memref<128xi32, #tpu.memory_space<vmem>>
      %dma_wait3A_51 = arith.constant 0 : i32
      %dma_wait3A_52 = tpu.memref_slice %arg17[%dma_wait3A_51] : memref<1024xf32, #tpu.memory_space<vmem_shared>> -> memref<1024xf32, #tpu.memory_space<vmem_shared>>
      tpu.wait_indirect_dma semaphore(%run_scoped3A : memref<!tpu.dma_semaphore, #tpu.memory_space<semaphore_mem>>) src(%dma_wait3A_48 : memref<128xf32, #tpu.memory_space<vmem>>) dst(%dma_wait3A_52 : memref<1024xf32, #tpu.memory_space<vmem_shared>>)
      tpu.yield
    }) : () -> ()
    "tpu.region"() ({
      %run_scoped3A = tpu.sem_alloc : memref<!tpu.dma_semaphore, #tpu.memory_space<semaphore_mem>>
      %dma_start3A = arith.constant 896 : i32
      %dma_start3A_43 = tpu.memref_slice %arg11[%dma_start3A] : memref<1664xf32, #tpu.memory_space<vmem>> -> memref<128xf32, #tpu.memory_space<vmem>>
      %dma_start3A_44 = arith.constant 896 : i32
      %dma_start3A_45 = tpu.memref_slice %arg9[%dma_start3A_44] : memref<1664xi32, #tpu.memory_space<vmem>> -> memref<128xi32, #tpu.memory_space<vmem>>
      %dma_start3A_46 = arith.constant 0 : i32
      %dma_start3A_47 = tpu.memref_slice %arg18[%dma_start3A_46] : memref<1024xf32, #tpu.memory_space<vmem_shared>> -> memref<1024xf32, #tpu.memory_space<vmem_shared>>
      tpu.enqueue_indirect_dma source(%dma_start3A_43 : memref<128xf32, #tpu.memory_space<vmem>>) target(%dma_start3A_47 : memref<1024xf32, #tpu.memory_space<vmem_shared>>) offsets(%dma_start3A_45 : memref<128xi32, #tpu.memory_space<vmem>>) semaphore(%run_scoped3A : memref<!tpu.dma_semaphore, #tpu.memory_space<semaphore_mem>>) {add = true}
      %dma_wait3A = arith.constant 896 : i32
      %dma_wait3A_48 = tpu.memref_slice %arg11[%dma_wait3A] : memref<1664xf32, #tpu.memory_space<vmem>> -> memref<128xf32, #tpu.memory_space<vmem>>
      %dma_wait3A_49 = arith.constant 896 : i32
      %dma_wait3A_50 = tpu.memref_slice %arg9[%dma_wait3A_49] : memref<1664xi32, #tpu.memory_space<vmem>> -> memref<128xi32, #tpu.memory_space<vmem>>
      %dma_wait3A_51 = arith.constant 0 : i32
      %dma_wait3A_52 = tpu.memref_slice %arg18[%dma_wait3A_51] : memref<1024xf32, #tpu.memory_space<vmem_shared>> -> memref<1024xf32, #tpu.memory_space<vmem_shared>>
      tpu.wait_indirect_dma semaphore(%run_scoped3A : memref<!tpu.dma_semaphore, #tpu.memory_space<semaphore_mem>>) src(%dma_wait3A_48 : memref<128xf32, #tpu.memory_space<vmem>>) dst(%dma_wait3A_52 : memref<1024xf32, #tpu.memory_space<vmem_shared>>)
      tpu.yield
    }) : () -> ()
    "tpu.region"() ({
      %run_scoped3A = tpu.sem_alloc : memref<!tpu.dma_semaphore, #tpu.memory_space<semaphore_mem>>
      %dma_start3A = arith.constant 896 : i32
      %dma_start3A_43 = tpu.memref_slice %arg12[%dma_start3A] : memref<1664xf32, #tpu.memory_space<vmem>> -> memref<128xf32, #tpu.memory_space<vmem>>
      %dma_start3A_44 = arith.constant 896 : i32
      %dma_start3A_45 = tpu.memref_slice %arg9[%dma_start3A_44] : memref<1664xi32, #tpu.memory_space<vmem>> -> memref<128xi32, #tpu.memory_space<vmem>>
      %dma_start3A_46 = arith.constant 0 : i32
      %dma_start3A_47 = tpu.memref_slice %arg19[%dma_start3A_46] : memref<1024xf32, #tpu.memory_space<vmem_shared>> -> memref<1024xf32, #tpu.memory_space<vmem_shared>>
      tpu.enqueue_indirect_dma source(%dma_start3A_43 : memref<128xf32, #tpu.memory_space<vmem>>) target(%dma_start3A_47 : memref<1024xf32, #tpu.memory_space<vmem_shared>>) offsets(%dma_start3A_45 : memref<128xi32, #tpu.memory_space<vmem>>) semaphore(%run_scoped3A : memref<!tpu.dma_semaphore, #tpu.memory_space<semaphore_mem>>) {add = true}
      %dma_wait3A = arith.constant 896 : i32
      %dma_wait3A_48 = tpu.memref_slice %arg12[%dma_wait3A] : memref<1664xf32, #tpu.memory_space<vmem>> -> memref<128xf32, #tpu.memory_space<vmem>>
      %dma_wait3A_49 = arith.constant 896 : i32
      %dma_wait3A_50 = tpu.memref_slice %arg9[%dma_wait3A_49] : memref<1664xi32, #tpu.memory_space<vmem>> -> memref<128xi32, #tpu.memory_space<vmem>>
      %dma_wait3A_51 = arith.constant 0 : i32
      %dma_wait3A_52 = tpu.memref_slice %arg19[%dma_wait3A_51] : memref<1024xf32, #tpu.memory_space<vmem_shared>> -> memref<1024xf32, #tpu.memory_space<vmem_shared>>
      tpu.wait_indirect_dma semaphore(%run_scoped3A : memref<!tpu.dma_semaphore, #tpu.memory_space<semaphore_mem>>) src(%dma_wait3A_48 : memref<128xf32, #tpu.memory_space<vmem>>) dst(%dma_wait3A_52 : memref<1024xf32, #tpu.memory_space<vmem_shared>>)
      tpu.yield
    }) : () -> ()
    "tpu.region"() ({
      %run_scoped3A = tpu.sem_alloc : memref<!tpu.dma_semaphore, #tpu.memory_space<semaphore_mem>>
      %dma_start3A = arith.constant 1024 : i32
      %dma_start3A_43 = tpu.memref_slice %arg10[%dma_start3A] : memref<1664xf32, #tpu.memory_space<vmem>> -> memref<128xf32, #tpu.memory_space<vmem>>
      %dma_start3A_44 = arith.constant 1024 : i32
      %dma_start3A_45 = tpu.memref_slice %arg9[%dma_start3A_44] : memref<1664xi32, #tpu.memory_space<vmem>> -> memref<128xi32, #tpu.memory_space<vmem>>
      %dma_start3A_46 = arith.constant 0 : i32
      %dma_start3A_47 = tpu.memref_slice %arg17[%dma_start3A_46] : memref<1024xf32, #tpu.memory_space<vmem_shared>> -> memref<1024xf32, #tpu.memory_space<vmem_shared>>
      tpu.enqueue_indirect_dma source(%dma_start3A_43 : memref<128xf32, #tpu.memory_space<vmem>>) target(%dma_start3A_47 : memref<1024xf32, #tpu.memory_space<vmem_shared>>) offsets(%dma_start3A_45 : memref<128xi32, #tpu.memory_space<vmem>>) semaphore(%run_scoped3A : memref<!tpu.dma_semaphore, #tpu.memory_space<semaphore_mem>>) {add = true}
      %dma_wait3A = arith.constant 1024 : i32
      %dma_wait3A_48 = tpu.memref_slice %arg10[%dma_wait3A] : memref<1664xf32, #tpu.memory_space<vmem>> -> memref<128xf32, #tpu.memory_space<vmem>>
      %dma_wait3A_49 = arith.constant 1024 : i32
      %dma_wait3A_50 = tpu.memref_slice %arg9[%dma_wait3A_49] : memref<1664xi32, #tpu.memory_space<vmem>> -> memref<128xi32, #tpu.memory_space<vmem>>
      %dma_wait3A_51 = arith.constant 0 : i32
      %dma_wait3A_52 = tpu.memref_slice %arg17[%dma_wait3A_51] : memref<1024xf32, #tpu.memory_space<vmem_shared>> -> memref<1024xf32, #tpu.memory_space<vmem_shared>>
      tpu.wait_indirect_dma semaphore(%run_scoped3A : memref<!tpu.dma_semaphore, #tpu.memory_space<semaphore_mem>>) src(%dma_wait3A_48 : memref<128xf32, #tpu.memory_space<vmem>>) dst(%dma_wait3A_52 : memref<1024xf32, #tpu.memory_space<vmem_shared>>)
      tpu.yield
    }) : () -> ()
    "tpu.region"() ({
      %run_scoped3A = tpu.sem_alloc : memref<!tpu.dma_semaphore, #tpu.memory_space<semaphore_mem>>
      %dma_start3A = arith.constant 1024 : i32
      %dma_start3A_43 = tpu.memref_slice %arg11[%dma_start3A] : memref<1664xf32, #tpu.memory_space<vmem>> -> memref<128xf32, #tpu.memory_space<vmem>>
      %dma_start3A_44 = arith.constant 1024 : i32
      %dma_start3A_45 = tpu.memref_slice %arg9[%dma_start3A_44] : memref<1664xi32, #tpu.memory_space<vmem>> -> memref<128xi32, #tpu.memory_space<vmem>>
      %dma_start3A_46 = arith.constant 0 : i32
      %dma_start3A_47 = tpu.memref_slice %arg18[%dma_start3A_46] : memref<1024xf32, #tpu.memory_space<vmem_shared>> -> memref<1024xf32, #tpu.memory_space<vmem_shared>>
      tpu.enqueue_indirect_dma source(%dma_start3A_43 : memref<128xf32, #tpu.memory_space<vmem>>) target(%dma_start3A_47 : memref<1024xf32, #tpu.memory_space<vmem_shared>>) offsets(%dma_start3A_45 : memref<128xi32, #tpu.memory_space<vmem>>) semaphore(%run_scoped3A : memref<!tpu.dma_semaphore, #tpu.memory_space<semaphore_mem>>) {add = true}
      %dma_wait3A = arith.constant 1024 : i32
      %dma_wait3A_48 = tpu.memref_slice %arg11[%dma_wait3A] : memref<1664xf32, #tpu.memory_space<vmem>> -> memref<128xf32, #tpu.memory_space<vmem>>
      %dma_wait3A_49 = arith.constant 1024 : i32
      %dma_wait3A_50 = tpu.memref_slice %arg9[%dma_wait3A_49] : memref<1664xi32, #tpu.memory_space<vmem>> -> memref<128xi32, #tpu.memory_space<vmem>>
      %dma_wait3A_51 = arith.constant 0 : i32
      %dma_wait3A_52 = tpu.memref_slice %arg18[%dma_wait3A_51] : memref<1024xf32, #tpu.memory_space<vmem_shared>> -> memref<1024xf32, #tpu.memory_space<vmem_shared>>
      tpu.wait_indirect_dma semaphore(%run_scoped3A : memref<!tpu.dma_semaphore, #tpu.memory_space<semaphore_mem>>) src(%dma_wait3A_48 : memref<128xf32, #tpu.memory_space<vmem>>) dst(%dma_wait3A_52 : memref<1024xf32, #tpu.memory_space<vmem_shared>>)
      tpu.yield
    }) : () -> ()
    "tpu.region"() ({
      %run_scoped3A = tpu.sem_alloc : memref<!tpu.dma_semaphore, #tpu.memory_space<semaphore_mem>>
      %dma_start3A = arith.constant 1024 : i32
      %dma_start3A_43 = tpu.memref_slice %arg12[%dma_start3A] : memref<1664xf32, #tpu.memory_space<vmem>> -> memref<128xf32, #tpu.memory_space<vmem>>
      %dma_start3A_44 = arith.constant 1024 : i32
      %dma_start3A_45 = tpu.memref_slice %arg9[%dma_start3A_44] : memref<1664xi32, #tpu.memory_space<vmem>> -> memref<128xi32, #tpu.memory_space<vmem>>
      %dma_start3A_46 = arith.constant 0 : i32
      %dma_start3A_47 = tpu.memref_slice %arg19[%dma_start3A_46] : memref<1024xf32, #tpu.memory_space<vmem_shared>> -> memref<1024xf32, #tpu.memory_space<vmem_shared>>
      tpu.enqueue_indirect_dma source(%dma_start3A_43 : memref<128xf32, #tpu.memory_space<vmem>>) target(%dma_start3A_47 : memref<1024xf32, #tpu.memory_space<vmem_shared>>) offsets(%dma_start3A_45 : memref<128xi32, #tpu.memory_space<vmem>>) semaphore(%run_scoped3A : memref<!tpu.dma_semaphore, #tpu.memory_space<semaphore_mem>>) {add = true}
      %dma_wait3A = arith.constant 1024 : i32
      %dma_wait3A_48 = tpu.memref_slice %arg12[%dma_wait3A] : memref<1664xf32, #tpu.memory_space<vmem>> -> memref<128xf32, #tpu.memory_space<vmem>>
      %dma_wait3A_49 = arith.constant 1024 : i32
      %dma_wait3A_50 = tpu.memref_slice %arg9[%dma_wait3A_49] : memref<1664xi32, #tpu.memory_space<vmem>> -> memref<128xi32, #tpu.memory_space<vmem>>
      %dma_wait3A_51 = arith.constant 0 : i32
      %dma_wait3A_52 = tpu.memref_slice %arg19[%dma_wait3A_51] : memref<1024xf32, #tpu.memory_space<vmem_shared>> -> memref<1024xf32, #tpu.memory_space<vmem_shared>>
      tpu.wait_indirect_dma semaphore(%run_scoped3A : memref<!tpu.dma_semaphore, #tpu.memory_space<semaphore_mem>>) src(%dma_wait3A_48 : memref<128xf32, #tpu.memory_space<vmem>>) dst(%dma_wait3A_52 : memref<1024xf32, #tpu.memory_space<vmem_shared>>)
      tpu.yield
    }) : () -> ()
    "tpu.region"() ({
      %run_scoped3A = tpu.sem_alloc : memref<!tpu.dma_semaphore, #tpu.memory_space<semaphore_mem>>
      %dma_start3A = arith.constant 1152 : i32
      %dma_start3A_43 = tpu.memref_slice %arg10[%dma_start3A] : memref<1664xf32, #tpu.memory_space<vmem>> -> memref<128xf32, #tpu.memory_space<vmem>>
      %dma_start3A_44 = arith.constant 1152 : i32
      %dma_start3A_45 = tpu.memref_slice %arg9[%dma_start3A_44] : memref<1664xi32, #tpu.memory_space<vmem>> -> memref<128xi32, #tpu.memory_space<vmem>>
      %dma_start3A_46 = arith.constant 0 : i32
      %dma_start3A_47 = tpu.memref_slice %arg17[%dma_start3A_46] : memref<1024xf32, #tpu.memory_space<vmem_shared>> -> memref<1024xf32, #tpu.memory_space<vmem_shared>>
      tpu.enqueue_indirect_dma source(%dma_start3A_43 : memref<128xf32, #tpu.memory_space<vmem>>) target(%dma_start3A_47 : memref<1024xf32, #tpu.memory_space<vmem_shared>>) offsets(%dma_start3A_45 : memref<128xi32, #tpu.memory_space<vmem>>) semaphore(%run_scoped3A : memref<!tpu.dma_semaphore, #tpu.memory_space<semaphore_mem>>) {add = true}
      %dma_wait3A = arith.constant 1152 : i32
      %dma_wait3A_48 = tpu.memref_slice %arg10[%dma_wait3A] : memref<1664xf32, #tpu.memory_space<vmem>> -> memref<128xf32, #tpu.memory_space<vmem>>
      %dma_wait3A_49 = arith.constant 1152 : i32
      %dma_wait3A_50 = tpu.memref_slice %arg9[%dma_wait3A_49] : memref<1664xi32, #tpu.memory_space<vmem>> -> memref<128xi32, #tpu.memory_space<vmem>>
      %dma_wait3A_51 = arith.constant 0 : i32
      %dma_wait3A_52 = tpu.memref_slice %arg17[%dma_wait3A_51] : memref<1024xf32, #tpu.memory_space<vmem_shared>> -> memref<1024xf32, #tpu.memory_space<vmem_shared>>
      tpu.wait_indirect_dma semaphore(%run_scoped3A : memref<!tpu.dma_semaphore, #tpu.memory_space<semaphore_mem>>) src(%dma_wait3A_48 : memref<128xf32, #tpu.memory_space<vmem>>) dst(%dma_wait3A_52 : memref<1024xf32, #tpu.memory_space<vmem_shared>>)
      tpu.yield
    }) : () -> ()
    "tpu.region"() ({
      %run_scoped3A = tpu.sem_alloc : memref<!tpu.dma_semaphore, #tpu.memory_space<semaphore_mem>>
      %dma_start3A = arith.constant 1152 : i32
      %dma_start3A_43 = tpu.memref_slice %arg11[%dma_start3A] : memref<1664xf32, #tpu.memory_space<vmem>> -> memref<128xf32, #tpu.memory_space<vmem>>
      %dma_start3A_44 = arith.constant 1152 : i32
      %dma_start3A_45 = tpu.memref_slice %arg9[%dma_start3A_44] : memref<1664xi32, #tpu.memory_space<vmem>> -> memref<128xi32, #tpu.memory_space<vmem>>
      %dma_start3A_46 = arith.constant 0 : i32
      %dma_start3A_47 = tpu.memref_slice %arg18[%dma_start3A_46] : memref<1024xf32, #tpu.memory_space<vmem_shared>> -> memref<1024xf32, #tpu.memory_space<vmem_shared>>
      tpu.enqueue_indirect_dma source(%dma_start3A_43 : memref<128xf32, #tpu.memory_space<vmem>>) target(%dma_start3A_47 : memref<1024xf32, #tpu.memory_space<vmem_shared>>) offsets(%dma_start3A_45 : memref<128xi32, #tpu.memory_space<vmem>>) semaphore(%run_scoped3A : memref<!tpu.dma_semaphore, #tpu.memory_space<semaphore_mem>>) {add = true}
      %dma_wait3A = arith.constant 1152 : i32
      %dma_wait3A_48 = tpu.memref_slice %arg11[%dma_wait3A] : memref<1664xf32, #tpu.memory_space<vmem>> -> memref<128xf32, #tpu.memory_space<vmem>>
      %dma_wait3A_49 = arith.constant 1152 : i32
      %dma_wait3A_50 = tpu.memref_slice %arg9[%dma_wait3A_49] : memref<1664xi32, #tpu.memory_space<vmem>> -> memref<128xi32, #tpu.memory_space<vmem>>
      %dma_wait3A_51 = arith.constant 0 : i32
      %dma_wait3A_52 = tpu.memref_slice %arg18[%dma_wait3A_51] : memref<1024xf32, #tpu.memory_space<vmem_shared>> -> memref<1024xf32, #tpu.memory_space<vmem_shared>>
      tpu.wait_indirect_dma semaphore(%run_scoped3A : memref<!tpu.dma_semaphore, #tpu.memory_space<semaphore_mem>>) src(%dma_wait3A_48 : memref<128xf32, #tpu.memory_space<vmem>>) dst(%dma_wait3A_52 : memref<1024xf32, #tpu.memory_space<vmem_shared>>)
      tpu.yield
    }) : () -> ()
    "tpu.region"() ({
      %run_scoped3A = tpu.sem_alloc : memref<!tpu.dma_semaphore, #tpu.memory_space<semaphore_mem>>
      %dma_start3A = arith.constant 1152 : i32
      %dma_start3A_43 = tpu.memref_slice %arg12[%dma_start3A] : memref<1664xf32, #tpu.memory_space<vmem>> -> memref<128xf32, #tpu.memory_space<vmem>>
      %dma_start3A_44 = arith.constant 1152 : i32
      %dma_start3A_45 = tpu.memref_slice %arg9[%dma_start3A_44] : memref<1664xi32, #tpu.memory_space<vmem>> -> memref<128xi32, #tpu.memory_space<vmem>>
      %dma_start3A_46 = arith.constant 0 : i32
      %dma_start3A_47 = tpu.memref_slice %arg19[%dma_start3A_46] : memref<1024xf32, #tpu.memory_space<vmem_shared>> -> memref<1024xf32, #tpu.memory_space<vmem_shared>>
      tpu.enqueue_indirect_dma source(%dma_start3A_43 : memref<128xf32, #tpu.memory_space<vmem>>) target(%dma_start3A_47 : memref<1024xf32, #tpu.memory_space<vmem_shared>>) offsets(%dma_start3A_45 : memref<128xi32, #tpu.memory_space<vmem>>) semaphore(%run_scoped3A : memref<!tpu.dma_semaphore, #tpu.memory_space<semaphore_mem>>) {add = true}
      %dma_wait3A = arith.constant 1152 : i32
      %dma_wait3A_48 = tpu.memref_slice %arg12[%dma_wait3A] : memref<1664xf32, #tpu.memory_space<vmem>> -> memref<128xf32, #tpu.memory_space<vmem>>
      %dma_wait3A_49 = arith.constant 1152 : i32
      %dma_wait3A_50 = tpu.memref_slice %arg9[%dma_wait3A_49] : memref<1664xi32, #tpu.memory_space<vmem>> -> memref<128xi32, #tpu.memory_space<vmem>>
      %dma_wait3A_51 = arith.constant 0 : i32
      %dma_wait3A_52 = tpu.memref_slice %arg19[%dma_wait3A_51] : memref<1024xf32, #tpu.memory_space<vmem_shared>> -> memref<1024xf32, #tpu.memory_space<vmem_shared>>
      tpu.wait_indirect_dma semaphore(%run_scoped3A : memref<!tpu.dma_semaphore, #tpu.memory_space<semaphore_mem>>) src(%dma_wait3A_48 : memref<128xf32, #tpu.memory_space<vmem>>) dst(%dma_wait3A_52 : memref<1024xf32, #tpu.memory_space<vmem_shared>>)
      tpu.yield
    }) : () -> ()
    "tpu.region"() ({
      %run_scoped3A = tpu.sem_alloc : memref<!tpu.dma_semaphore, #tpu.memory_space<semaphore_mem>>
      %dma_start3A = arith.constant 1280 : i32
      %dma_start3A_43 = tpu.memref_slice %arg10[%dma_start3A] : memref<1664xf32, #tpu.memory_space<vmem>> -> memref<128xf32, #tpu.memory_space<vmem>>
      %dma_start3A_44 = arith.constant 1280 : i32
      %dma_start3A_45 = tpu.memref_slice %arg9[%dma_start3A_44] : memref<1664xi32, #tpu.memory_space<vmem>> -> memref<128xi32, #tpu.memory_space<vmem>>
      %dma_start3A_46 = arith.constant 0 : i32
      %dma_start3A_47 = tpu.memref_slice %arg17[%dma_start3A_46] : memref<1024xf32, #tpu.memory_space<vmem_shared>> -> memref<1024xf32, #tpu.memory_space<vmem_shared>>
      tpu.enqueue_indirect_dma source(%dma_start3A_43 : memref<128xf32, #tpu.memory_space<vmem>>) target(%dma_start3A_47 : memref<1024xf32, #tpu.memory_space<vmem_shared>>) offsets(%dma_start3A_45 : memref<128xi32, #tpu.memory_space<vmem>>) semaphore(%run_scoped3A : memref<!tpu.dma_semaphore, #tpu.memory_space<semaphore_mem>>) {add = true}
      %dma_wait3A = arith.constant 1280 : i32
      %dma_wait3A_48 = tpu.memref_slice %arg10[%dma_wait3A] : memref<1664xf32, #tpu.memory_space<vmem>> -> memref<128xf32, #tpu.memory_space<vmem>>
      %dma_wait3A_49 = arith.constant 1280 : i32
      %dma_wait3A_50 = tpu.memref_slice %arg9[%dma_wait3A_49] : memref<1664xi32, #tpu.memory_space<vmem>> -> memref<128xi32, #tpu.memory_space<vmem>>
      %dma_wait3A_51 = arith.constant 0 : i32
      %dma_wait3A_52 = tpu.memref_slice %arg17[%dma_wait3A_51] : memref<1024xf32, #tpu.memory_space<vmem_shared>> -> memref<1024xf32, #tpu.memory_space<vmem_shared>>
      tpu.wait_indirect_dma semaphore(%run_scoped3A : memref<!tpu.dma_semaphore, #tpu.memory_space<semaphore_mem>>) src(%dma_wait3A_48 : memref<128xf32, #tpu.memory_space<vmem>>) dst(%dma_wait3A_52 : memref<1024xf32, #tpu.memory_space<vmem_shared>>)
      tpu.yield
    }) : () -> ()
    "tpu.region"() ({
      %run_scoped3A = tpu.sem_alloc : memref<!tpu.dma_semaphore, #tpu.memory_space<semaphore_mem>>
      %dma_start3A = arith.constant 1280 : i32
      %dma_start3A_43 = tpu.memref_slice %arg11[%dma_start3A] : memref<1664xf32, #tpu.memory_space<vmem>> -> memref<128xf32, #tpu.memory_space<vmem>>
      %dma_start3A_44 = arith.constant 1280 : i32
      %dma_start3A_45 = tpu.memref_slice %arg9[%dma_start3A_44] : memref<1664xi32, #tpu.memory_space<vmem>> -> memref<128xi32, #tpu.memory_space<vmem>>
      %dma_start3A_46 = arith.constant 0 : i32
      %dma_start3A_47 = tpu.memref_slice %arg18[%dma_start3A_46] : memref<1024xf32, #tpu.memory_space<vmem_shared>> -> memref<1024xf32, #tpu.memory_space<vmem_shared>>
      tpu.enqueue_indirect_dma source(%dma_start3A_43 : memref<128xf32, #tpu.memory_space<vmem>>) target(%dma_start3A_47 : memref<1024xf32, #tpu.memory_space<vmem_shared>>) offsets(%dma_start3A_45 : memref<128xi32, #tpu.memory_space<vmem>>) semaphore(%run_scoped3A : memref<!tpu.dma_semaphore, #tpu.memory_space<semaphore_mem>>) {add = true}
      %dma_wait3A = arith.constant 1280 : i32
      %dma_wait3A_48 = tpu.memref_slice %arg11[%dma_wait3A] : memref<1664xf32, #tpu.memory_space<vmem>> -> memref<128xf32, #tpu.memory_space<vmem>>
      %dma_wait3A_49 = arith.constant 1280 : i32
      %dma_wait3A_50 = tpu.memref_slice %arg9[%dma_wait3A_49] : memref<1664xi32, #tpu.memory_space<vmem>> -> memref<128xi32, #tpu.memory_space<vmem>>
      %dma_wait3A_51 = arith.constant 0 : i32
      %dma_wait3A_52 = tpu.memref_slice %arg18[%dma_wait3A_51] : memref<1024xf32, #tpu.memory_space<vmem_shared>> -> memref<1024xf32, #tpu.memory_space<vmem_shared>>
      tpu.wait_indirect_dma semaphore(%run_scoped3A : memref<!tpu.dma_semaphore, #tpu.memory_space<semaphore_mem>>) src(%dma_wait3A_48 : memref<128xf32, #tpu.memory_space<vmem>>) dst(%dma_wait3A_52 : memref<1024xf32, #tpu.memory_space<vmem_shared>>)
      tpu.yield
    }) : () -> ()
    "tpu.region"() ({
      %run_scoped3A = tpu.sem_alloc : memref<!tpu.dma_semaphore, #tpu.memory_space<semaphore_mem>>
      %dma_start3A = arith.constant 1280 : i32
      %dma_start3A_43 = tpu.memref_slice %arg12[%dma_start3A] : memref<1664xf32, #tpu.memory_space<vmem>> -> memref<128xf32, #tpu.memory_space<vmem>>
      %dma_start3A_44 = arith.constant 1280 : i32
      %dma_start3A_45 = tpu.memref_slice %arg9[%dma_start3A_44] : memref<1664xi32, #tpu.memory_space<vmem>> -> memref<128xi32, #tpu.memory_space<vmem>>
      %dma_start3A_46 = arith.constant 0 : i32
      %dma_start3A_47 = tpu.memref_slice %arg19[%dma_start3A_46] : memref<1024xf32, #tpu.memory_space<vmem_shared>> -> memref<1024xf32, #tpu.memory_space<vmem_shared>>
      tpu.enqueue_indirect_dma source(%dma_start3A_43 : memref<128xf32, #tpu.memory_space<vmem>>) target(%dma_start3A_47 : memref<1024xf32, #tpu.memory_space<vmem_shared>>) offsets(%dma_start3A_45 : memref<128xi32, #tpu.memory_space<vmem>>) semaphore(%run_scoped3A : memref<!tpu.dma_semaphore, #tpu.memory_space<semaphore_mem>>) {add = true}
      %dma_wait3A = arith.constant 1280 : i32
      %dma_wait3A_48 = tpu.memref_slice %arg12[%dma_wait3A] : memref<1664xf32, #tpu.memory_space<vmem>> -> memref<128xf32, #tpu.memory_space<vmem>>
      %dma_wait3A_49 = arith.constant 1280 : i32
      %dma_wait3A_50 = tpu.memref_slice %arg9[%dma_wait3A_49] : memref<1664xi32, #tpu.memory_space<vmem>> -> memref<128xi32, #tpu.memory_space<vmem>>
      %dma_wait3A_51 = arith.constant 0 : i32
      %dma_wait3A_52 = tpu.memref_slice %arg19[%dma_wait3A_51] : memref<1024xf32, #tpu.memory_space<vmem_shared>> -> memref<1024xf32, #tpu.memory_space<vmem_shared>>
      tpu.wait_indirect_dma semaphore(%run_scoped3A : memref<!tpu.dma_semaphore, #tpu.memory_space<semaphore_mem>>) src(%dma_wait3A_48 : memref<128xf32, #tpu.memory_space<vmem>>) dst(%dma_wait3A_52 : memref<1024xf32, #tpu.memory_space<vmem_shared>>)
      tpu.yield
    }) : () -> ()
    "tpu.region"() ({
      %run_scoped3A = tpu.sem_alloc : memref<!tpu.dma_semaphore, #tpu.memory_space<semaphore_mem>>
      %dma_start3A = arith.constant 1408 : i32
      %dma_start3A_43 = tpu.memref_slice %arg10[%dma_start3A] : memref<1664xf32, #tpu.memory_space<vmem>> -> memref<128xf32, #tpu.memory_space<vmem>>
      %dma_start3A_44 = arith.constant 1408 : i32
      %dma_start3A_45 = tpu.memref_slice %arg9[%dma_start3A_44] : memref<1664xi32, #tpu.memory_space<vmem>> -> memref<128xi32, #tpu.memory_space<vmem>>
      %dma_start3A_46 = arith.constant 0 : i32
      %dma_start3A_47 = tpu.memref_slice %arg17[%dma_start3A_46] : memref<1024xf32, #tpu.memory_space<vmem_shared>> -> memref<1024xf32, #tpu.memory_space<vmem_shared>>
      tpu.enqueue_indirect_dma source(%dma_start3A_43 : memref<128xf32, #tpu.memory_space<vmem>>) target(%dma_start3A_47 : memref<1024xf32, #tpu.memory_space<vmem_shared>>) offsets(%dma_start3A_45 : memref<128xi32, #tpu.memory_space<vmem>>) semaphore(%run_scoped3A : memref<!tpu.dma_semaphore, #tpu.memory_space<semaphore_mem>>) {add = true}
      %dma_wait3A = arith.constant 1408 : i32
      %dma_wait3A_48 = tpu.memref_slice %arg10[%dma_wait3A] : memref<1664xf32, #tpu.memory_space<vmem>> -> memref<128xf32, #tpu.memory_space<vmem>>
      %dma_wait3A_49 = arith.constant 1408 : i32
      %dma_wait3A_50 = tpu.memref_slice %arg9[%dma_wait3A_49] : memref<1664xi32, #tpu.memory_space<vmem>> -> memref<128xi32, #tpu.memory_space<vmem>>
      %dma_wait3A_51 = arith.constant 0 : i32
      %dma_wait3A_52 = tpu.memref_slice %arg17[%dma_wait3A_51] : memref<1024xf32, #tpu.memory_space<vmem_shared>> -> memref<1024xf32, #tpu.memory_space<vmem_shared>>
      tpu.wait_indirect_dma semaphore(%run_scoped3A : memref<!tpu.dma_semaphore, #tpu.memory_space<semaphore_mem>>) src(%dma_wait3A_48 : memref<128xf32, #tpu.memory_space<vmem>>) dst(%dma_wait3A_52 : memref<1024xf32, #tpu.memory_space<vmem_shared>>)
      tpu.yield
    }) : () -> ()
    "tpu.region"() ({
      %run_scoped3A = tpu.sem_alloc : memref<!tpu.dma_semaphore, #tpu.memory_space<semaphore_mem>>
      %dma_start3A = arith.constant 1408 : i32
      %dma_start3A_43 = tpu.memref_slice %arg11[%dma_start3A] : memref<1664xf32, #tpu.memory_space<vmem>> -> memref<128xf32, #tpu.memory_space<vmem>>
      %dma_start3A_44 = arith.constant 1408 : i32
      %dma_start3A_45 = tpu.memref_slice %arg9[%dma_start3A_44] : memref<1664xi32, #tpu.memory_space<vmem>> -> memref<128xi32, #tpu.memory_space<vmem>>
      %dma_start3A_46 = arith.constant 0 : i32
      %dma_start3A_47 = tpu.memref_slice %arg18[%dma_start3A_46] : memref<1024xf32, #tpu.memory_space<vmem_shared>> -> memref<1024xf32, #tpu.memory_space<vmem_shared>>
      tpu.enqueue_indirect_dma source(%dma_start3A_43 : memref<128xf32, #tpu.memory_space<vmem>>) target(%dma_start3A_47 : memref<1024xf32, #tpu.memory_space<vmem_shared>>) offsets(%dma_start3A_45 : memref<128xi32, #tpu.memory_space<vmem>>) semaphore(%run_scoped3A : memref<!tpu.dma_semaphore, #tpu.memory_space<semaphore_mem>>) {add = true}
      %dma_wait3A = arith.constant 1408 : i32
      %dma_wait3A_48 = tpu.memref_slice %arg11[%dma_wait3A] : memref<1664xf32, #tpu.memory_space<vmem>> -> memref<128xf32, #tpu.memory_space<vmem>>
      %dma_wait3A_49 = arith.constant 1408 : i32
      %dma_wait3A_50 = tpu.memref_slice %arg9[%dma_wait3A_49] : memref<1664xi32, #tpu.memory_space<vmem>> -> memref<128xi32, #tpu.memory_space<vmem>>
      %dma_wait3A_51 = arith.constant 0 : i32
      %dma_wait3A_52 = tpu.memref_slice %arg18[%dma_wait3A_51] : memref<1024xf32, #tpu.memory_space<vmem_shared>> -> memref<1024xf32, #tpu.memory_space<vmem_shared>>
      tpu.wait_indirect_dma semaphore(%run_scoped3A : memref<!tpu.dma_semaphore, #tpu.memory_space<semaphore_mem>>) src(%dma_wait3A_48 : memref<128xf32, #tpu.memory_space<vmem>>) dst(%dma_wait3A_52 : memref<1024xf32, #tpu.memory_space<vmem_shared>>)
      tpu.yield
    }) : () -> ()
    "tpu.region"() ({
      %run_scoped3A = tpu.sem_alloc : memref<!tpu.dma_semaphore, #tpu.memory_space<semaphore_mem>>
      %dma_start3A = arith.constant 1408 : i32
      %dma_start3A_43 = tpu.memref_slice %arg12[%dma_start3A] : memref<1664xf32, #tpu.memory_space<vmem>> -> memref<128xf32, #tpu.memory_space<vmem>>
      %dma_start3A_44 = arith.constant 1408 : i32
      %dma_start3A_45 = tpu.memref_slice %arg9[%dma_start3A_44] : memref<1664xi32, #tpu.memory_space<vmem>> -> memref<128xi32, #tpu.memory_space<vmem>>
      %dma_start3A_46 = arith.constant 0 : i32
      %dma_start3A_47 = tpu.memref_slice %arg19[%dma_start3A_46] : memref<1024xf32, #tpu.memory_space<vmem_shared>> -> memref<1024xf32, #tpu.memory_space<vmem_shared>>
      tpu.enqueue_indirect_dma source(%dma_start3A_43 : memref<128xf32, #tpu.memory_space<vmem>>) target(%dma_start3A_47 : memref<1024xf32, #tpu.memory_space<vmem_shared>>) offsets(%dma_start3A_45 : memref<128xi32, #tpu.memory_space<vmem>>) semaphore(%run_scoped3A : memref<!tpu.dma_semaphore, #tpu.memory_space<semaphore_mem>>) {add = true}
      %dma_wait3A = arith.constant 1408 : i32
      %dma_wait3A_48 = tpu.memref_slice %arg12[%dma_wait3A] : memref<1664xf32, #tpu.memory_space<vmem>> -> memref<128xf32, #tpu.memory_space<vmem>>
      %dma_wait3A_49 = arith.constant 1408 : i32
      %dma_wait3A_50 = tpu.memref_slice %arg9[%dma_wait3A_49] : memref<1664xi32, #tpu.memory_space<vmem>> -> memref<128xi32, #tpu.memory_space<vmem>>
      %dma_wait3A_51 = arith.constant 0 : i32
      %dma_wait3A_52 = tpu.memref_slice %arg19[%dma_wait3A_51] : memref<1024xf32, #tpu.memory_space<vmem_shared>> -> memref<1024xf32, #tpu.memory_space<vmem_shared>>
      tpu.wait_indirect_dma semaphore(%run_scoped3A : memref<!tpu.dma_semaphore, #tpu.memory_space<semaphore_mem>>) src(%dma_wait3A_48 : memref<128xf32, #tpu.memory_space<vmem>>) dst(%dma_wait3A_52 : memref<1024xf32, #tpu.memory_space<vmem_shared>>)
      tpu.yield
    }) : () -> ()
    "tpu.region"() ({
      %run_scoped3A = tpu.sem_alloc : memref<!tpu.dma_semaphore, #tpu.memory_space<semaphore_mem>>
      %dma_start3A = arith.constant 1536 : i32
      %dma_start3A_43 = tpu.memref_slice %arg10[%dma_start3A] : memref<1664xf32, #tpu.memory_space<vmem>> -> memref<128xf32, #tpu.memory_space<vmem>>
      %dma_start3A_44 = arith.constant 1536 : i32
      %dma_start3A_45 = tpu.memref_slice %arg9[%dma_start3A_44] : memref<1664xi32, #tpu.memory_space<vmem>> -> memref<128xi32, #tpu.memory_space<vmem>>
      %dma_start3A_46 = arith.constant 0 : i32
      %dma_start3A_47 = tpu.memref_slice %arg17[%dma_start3A_46] : memref<1024xf32, #tpu.memory_space<vmem_shared>> -> memref<1024xf32, #tpu.memory_space<vmem_shared>>
      tpu.enqueue_indirect_dma source(%dma_start3A_43 : memref<128xf32, #tpu.memory_space<vmem>>) target(%dma_start3A_47 : memref<1024xf32, #tpu.memory_space<vmem_shared>>) offsets(%dma_start3A_45 : memref<128xi32, #tpu.memory_space<vmem>>) semaphore(%run_scoped3A : memref<!tpu.dma_semaphore, #tpu.memory_space<semaphore_mem>>) {add = true}
      %dma_wait3A = arith.constant 1536 : i32
      %dma_wait3A_48 = tpu.memref_slice %arg10[%dma_wait3A] : memref<1664xf32, #tpu.memory_space<vmem>> -> memref<128xf32, #tpu.memory_space<vmem>>
      %dma_wait3A_49 = arith.constant 1536 : i32
      %dma_wait3A_50 = tpu.memref_slice %arg9[%dma_wait3A_49] : memref<1664xi32, #tpu.memory_space<vmem>> -> memref<128xi32, #tpu.memory_space<vmem>>
      %dma_wait3A_51 = arith.constant 0 : i32
      %dma_wait3A_52 = tpu.memref_slice %arg17[%dma_wait3A_51] : memref<1024xf32, #tpu.memory_space<vmem_shared>> -> memref<1024xf32, #tpu.memory_space<vmem_shared>>
      tpu.wait_indirect_dma semaphore(%run_scoped3A : memref<!tpu.dma_semaphore, #tpu.memory_space<semaphore_mem>>) src(%dma_wait3A_48 : memref<128xf32, #tpu.memory_space<vmem>>) dst(%dma_wait3A_52 : memref<1024xf32, #tpu.memory_space<vmem_shared>>)
      tpu.yield
    }) : () -> ()
    "tpu.region"() ({
      %run_scoped3A = tpu.sem_alloc : memref<!tpu.dma_semaphore, #tpu.memory_space<semaphore_mem>>
      %dma_start3A = arith.constant 1536 : i32
      %dma_start3A_43 = tpu.memref_slice %arg11[%dma_start3A] : memref<1664xf32, #tpu.memory_space<vmem>> -> memref<128xf32, #tpu.memory_space<vmem>>
      %dma_start3A_44 = arith.constant 1536 : i32
      %dma_start3A_45 = tpu.memref_slice %arg9[%dma_start3A_44] : memref<1664xi32, #tpu.memory_space<vmem>> -> memref<128xi32, #tpu.memory_space<vmem>>
      %dma_start3A_46 = arith.constant 0 : i32
      %dma_start3A_47 = tpu.memref_slice %arg18[%dma_start3A_46] : memref<1024xf32, #tpu.memory_space<vmem_shared>> -> memref<1024xf32, #tpu.memory_space<vmem_shared>>
      tpu.enqueue_indirect_dma source(%dma_start3A_43 : memref<128xf32, #tpu.memory_space<vmem>>) target(%dma_start3A_47 : memref<1024xf32, #tpu.memory_space<vmem_shared>>) offsets(%dma_start3A_45 : memref<128xi32, #tpu.memory_space<vmem>>) semaphore(%run_scoped3A : memref<!tpu.dma_semaphore, #tpu.memory_space<semaphore_mem>>) {add = true}
      %dma_wait3A = arith.constant 1536 : i32
      %dma_wait3A_48 = tpu.memref_slice %arg11[%dma_wait3A] : memref<1664xf32, #tpu.memory_space<vmem>> -> memref<128xf32, #tpu.memory_space<vmem>>
      %dma_wait3A_49 = arith.constant 1536 : i32
      %dma_wait3A_50 = tpu.memref_slice %arg9[%dma_wait3A_49] : memref<1664xi32, #tpu.memory_space<vmem>> -> memref<128xi32, #tpu.memory_space<vmem>>
      %dma_wait3A_51 = arith.constant 0 : i32
      %dma_wait3A_52 = tpu.memref_slice %arg18[%dma_wait3A_51] : memref<1024xf32, #tpu.memory_space<vmem_shared>> -> memref<1024xf32, #tpu.memory_space<vmem_shared>>
      tpu.wait_indirect_dma semaphore(%run_scoped3A : memref<!tpu.dma_semaphore, #tpu.memory_space<semaphore_mem>>) src(%dma_wait3A_48 : memref<128xf32, #tpu.memory_space<vmem>>) dst(%dma_wait3A_52 : memref<1024xf32, #tpu.memory_space<vmem_shared>>)
      tpu.yield
    }) : () -> ()
    "tpu.region"() ({
      %run_scoped3A = tpu.sem_alloc : memref<!tpu.dma_semaphore, #tpu.memory_space<semaphore_mem>>
      %dma_start3A = arith.constant 1536 : i32
      %dma_start3A_43 = tpu.memref_slice %arg12[%dma_start3A] : memref<1664xf32, #tpu.memory_space<vmem>> -> memref<128xf32, #tpu.memory_space<vmem>>
      %dma_start3A_44 = arith.constant 1536 : i32
      %dma_start3A_45 = tpu.memref_slice %arg9[%dma_start3A_44] : memref<1664xi32, #tpu.memory_space<vmem>> -> memref<128xi32, #tpu.memory_space<vmem>>
      %dma_start3A_46 = arith.constant 0 : i32
      %dma_start3A_47 = tpu.memref_slice %arg19[%dma_start3A_46] : memref<1024xf32, #tpu.memory_space<vmem_shared>> -> memref<1024xf32, #tpu.memory_space<vmem_shared>>
      tpu.enqueue_indirect_dma source(%dma_start3A_43 : memref<128xf32, #tpu.memory_space<vmem>>) target(%dma_start3A_47 : memref<1024xf32, #tpu.memory_space<vmem_shared>>) offsets(%dma_start3A_45 : memref<128xi32, #tpu.memory_space<vmem>>) semaphore(%run_scoped3A : memref<!tpu.dma_semaphore, #tpu.memory_space<semaphore_mem>>) {add = true}
      %dma_wait3A = arith.constant 1536 : i32
      %dma_wait3A_48 = tpu.memref_slice %arg12[%dma_wait3A] : memref<1664xf32, #tpu.memory_space<vmem>> -> memref<128xf32, #tpu.memory_space<vmem>>
      %dma_wait3A_49 = arith.constant 1536 : i32
      %dma_wait3A_50 = tpu.memref_slice %arg9[%dma_wait3A_49] : memref<1664xi32, #tpu.memory_space<vmem>> -> memref<128xi32, #tpu.memory_space<vmem>>
      %dma_wait3A_51 = arith.constant 0 : i32
      %dma_wait3A_52 = tpu.memref_slice %arg19[%dma_wait3A_51] : memref<1024xf32, #tpu.memory_space<vmem_shared>> -> memref<1024xf32, #tpu.memory_space<vmem_shared>>
      tpu.wait_indirect_dma semaphore(%run_scoped3A : memref<!tpu.dma_semaphore, #tpu.memory_space<semaphore_mem>>) src(%dma_wait3A_48 : memref<128xf32, #tpu.memory_space<vmem>>) dst(%dma_wait3A_52 : memref<1024xf32, #tpu.memory_space<vmem_shared>>)
      tpu.yield
    }) : () -> ()
    %barrier3A_31 = arith.constant 0 : index
    tpu.barrier barrier_id(%barrier3A_31)
    %mul3A_32 = arith.constant 1024 : i32
    %mul3A_33 = arith.muli %arg0, %mul3A_32 : i32
    %mul3A_34 = arith.constant 64 : i32
    %mul3A_35 = arith.muli %arg1, %mul3A_34 : i32
    %add3A_36 = arith.addi %mul3A_33, %mul3A_35 : i32
    %mul3A_37 = arith.constant 64 : i32
    %mul3A_38 = arith.muli %arg1, %mul3A_37 : i32
    "tpu.region"() ({
      %run_scoped3A = tpu.sem_alloc : memref<!tpu.dma_semaphore, #tpu.memory_space<semaphore_mem>>
      %dma_start3A = tpu.memref_slice %arg17[%mul3A_38] : memref<1024xf32, #tpu.memory_space<vmem_shared>> -> memref<64xf32, #tpu.memory_space<vmem_shared>>
      %dma_start3A_43 = tpu.memref_slice %arg17[%mul3A_38] : memref<1024xf32, #tpu.memory_space<vmem_shared>> -> memref<64xf32, #tpu.memory_space<vmem_shared>>
      tpu.enqueue_dma source(%dma_start3A_43 : memref<64xf32, #tpu.memory_space<vmem_shared>>) target(%arg14 : memref<64xf32, #tpu.memory_space<vmem>>) target_semaphore(%run_scoped3A : memref<!tpu.dma_semaphore, #tpu.memory_space<semaphore_mem>>)
      %dma_wait3A = tpu.memref_slice %arg17[%mul3A_38] : memref<1024xf32, #tpu.memory_space<vmem_shared>> -> memref<64xf32, #tpu.memory_space<vmem_shared>>
      %dma_wait3A_44 = tpu.memref_slice %arg17[%mul3A_38] : memref<1024xf32, #tpu.memory_space<vmem_shared>> -> memref<64xf32, #tpu.memory_space<vmem_shared>>
      tpu.wait_dma2 semaphore(%run_scoped3A : memref<!tpu.dma_semaphore, #tpu.memory_space<semaphore_mem>>) src(%dma_wait3A_44 : memref<64xf32, #tpu.memory_space<vmem_shared>>) dst(%arg14 : memref<64xf32, #tpu.memory_space<vmem>>)
      tpu.yield
    }) : () -> ()
    %mul3A_39 = arith.constant 64 : i32
    %mul3A_40 = arith.muli %arg1, %mul3A_39 : i32
    "tpu.region"() ({
      %run_scoped3A = tpu.sem_alloc : memref<!tpu.dma_semaphore, #tpu.memory_space<semaphore_mem>>
      %dma_start3A = tpu.memref_slice %arg18[%mul3A_40] : memref<1024xf32, #tpu.memory_space<vmem_shared>> -> memref<64xf32, #tpu.memory_space<vmem_shared>>
      %dma_start3A_43 = tpu.memref_slice %arg18[%mul3A_40] : memref<1024xf32, #tpu.memory_space<vmem_shared>> -> memref<64xf32, #tpu.memory_space<vmem_shared>>
      tpu.enqueue_dma source(%dma_start3A_43 : memref<64xf32, #tpu.memory_space<vmem_shared>>) target(%arg15 : memref<64xf32, #tpu.memory_space<vmem>>) target_semaphore(%run_scoped3A : memref<!tpu.dma_semaphore, #tpu.memory_space<semaphore_mem>>)
      %dma_wait3A = tpu.memref_slice %arg18[%mul3A_40] : memref<1024xf32, #tpu.memory_space<vmem_shared>> -> memref<64xf32, #tpu.memory_space<vmem_shared>>
      %dma_wait3A_44 = tpu.memref_slice %arg18[%mul3A_40] : memref<1024xf32, #tpu.memory_space<vmem_shared>> -> memref<64xf32, #tpu.memory_space<vmem_shared>>
      tpu.wait_dma2 semaphore(%run_scoped3A : memref<!tpu.dma_semaphore, #tpu.memory_space<semaphore_mem>>) src(%dma_wait3A_44 : memref<64xf32, #tpu.memory_space<vmem_shared>>) dst(%arg15 : memref<64xf32, #tpu.memory_space<vmem>>)
      tpu.yield
    }) : () -> ()
    %mul3A_41 = arith.constant 64 : i32
    %mul3A_42 = arith.muli %arg1, %mul3A_41 : i32
    "tpu.region"() ({
      %run_scoped3A = tpu.sem_alloc : memref<!tpu.dma_semaphore, #tpu.memory_space<semaphore_mem>>
      %dma_start3A = tpu.memref_slice %arg19[%mul3A_42] : memref<1024xf32, #tpu.memory_space<vmem_shared>> -> memref<64xf32, #tpu.memory_space<vmem_shared>>
      %dma_start3A_43 = tpu.memref_slice %arg19[%mul3A_42] : memref<1024xf32, #tpu.memory_space<vmem_shared>> -> memref<64xf32, #tpu.memory_space<vmem_shared>>
      tpu.enqueue_dma source(%dma_start3A_43 : memref<64xf32, #tpu.memory_space<vmem_shared>>) target(%arg16 : memref<64xf32, #tpu.memory_space<vmem>>) target_semaphore(%run_scoped3A : memref<!tpu.dma_semaphore, #tpu.memory_space<semaphore_mem>>)
      %dma_wait3A = tpu.memref_slice %arg19[%mul3A_42] : memref<1024xf32, #tpu.memory_space<vmem_shared>> -> memref<64xf32, #tpu.memory_space<vmem_shared>>
      %dma_wait3A_44 = tpu.memref_slice %arg19[%mul3A_42] : memref<1024xf32, #tpu.memory_space<vmem_shared>> -> memref<64xf32, #tpu.memory_space<vmem_shared>>
      tpu.wait_dma2 semaphore(%run_scoped3A : memref<!tpu.dma_semaphore, #tpu.memory_space<semaphore_mem>>) src(%dma_wait3A_44 : memref<64xf32, #tpu.memory_space<vmem_shared>>) dst(%arg16 : memref<64xf32, #tpu.memory_space<vmem>>)
      tpu.yield
    }) : () -> ()
    "tpu.region"() ({
      %run_scoped3A = tpu.sem_alloc : memref<!tpu.dma_semaphore, #tpu.memory_space<semaphore_mem>>
      %dma_start3A = tpu.memref_slice %arg6[%add3A_36] : memref<2048xf32, #tpu.memory_space<hbm>> -> memref<64xf32, #tpu.memory_space<hbm>>
      %dma_start3A_43 = tpu.memref_slice %arg6[%add3A_36] : memref<2048xf32, #tpu.memory_space<hbm>> -> memref<64xf32, #tpu.memory_space<hbm>>
      tpu.enqueue_dma source(%arg14 : memref<64xf32, #tpu.memory_space<vmem>>) target(%dma_start3A_43 : memref<64xf32, #tpu.memory_space<hbm>>) target_semaphore(%run_scoped3A : memref<!tpu.dma_semaphore, #tpu.memory_space<semaphore_mem>>)
      %dma_wait3A = tpu.memref_slice %arg6[%add3A_36] : memref<2048xf32, #tpu.memory_space<hbm>> -> memref<64xf32, #tpu.memory_space<hbm>>
      %dma_wait3A_44 = tpu.memref_slice %arg6[%add3A_36] : memref<2048xf32, #tpu.memory_space<hbm>> -> memref<64xf32, #tpu.memory_space<hbm>>
      tpu.wait_dma2 semaphore(%run_scoped3A : memref<!tpu.dma_semaphore, #tpu.memory_space<semaphore_mem>>) src(%arg14 : memref<64xf32, #tpu.memory_space<vmem>>) dst(%dma_wait3A_44 : memref<64xf32, #tpu.memory_space<hbm>>)
      tpu.yield
    }) : () -> ()
    "tpu.region"() ({
      %run_scoped3A = tpu.sem_alloc : memref<!tpu.dma_semaphore, #tpu.memory_space<semaphore_mem>>
      %dma_start3A = tpu.memref_slice %arg7[%add3A_36] : memref<2048xf32, #tpu.memory_space<hbm>> -> memref<64xf32, #tpu.memory_space<hbm>>
      %dma_start3A_43 = tpu.memref_slice %arg7[%add3A_36] : memref<2048xf32, #tpu.memory_space<hbm>> -> memref<64xf32, #tpu.memory_space<hbm>>
      tpu.enqueue_dma source(%arg15 : memref<64xf32, #tpu.memory_space<vmem>>) target(%dma_start3A_43 : memref<64xf32, #tpu.memory_space<hbm>>) target_semaphore(%run_scoped3A : memref<!tpu.dma_semaphore, #tpu.memory_space<semaphore_mem>>)
      %dma_wait3A = tpu.memref_slice %arg7[%add3A_36] : memref<2048xf32, #tpu.memory_space<hbm>> -> memref<64xf32, #tpu.memory_space<hbm>>
      %dma_wait3A_44 = tpu.memref_slice %arg7[%add3A_36] : memref<2048xf32, #tpu.memory_space<hbm>> -> memref<64xf32, #tpu.memory_space<hbm>>
      tpu.wait_dma2 semaphore(%run_scoped3A : memref<!tpu.dma_semaphore, #tpu.memory_space<semaphore_mem>>) src(%arg15 : memref<64xf32, #tpu.memory_space<vmem>>) dst(%dma_wait3A_44 : memref<64xf32, #tpu.memory_space<hbm>>)
      tpu.yield
    }) : () -> ()
    "tpu.region"() ({
      %run_scoped3A = tpu.sem_alloc : memref<!tpu.dma_semaphore, #tpu.memory_space<semaphore_mem>>
      %dma_start3A = tpu.memref_slice %arg8[%add3A_36] : memref<2048xf32, #tpu.memory_space<hbm>> -> memref<64xf32, #tpu.memory_space<hbm>>
      %dma_start3A_43 = tpu.memref_slice %arg8[%add3A_36] : memref<2048xf32, #tpu.memory_space<hbm>> -> memref<64xf32, #tpu.memory_space<hbm>>
      tpu.enqueue_dma source(%arg16 : memref<64xf32, #tpu.memory_space<vmem>>) target(%dma_start3A_43 : memref<64xf32, #tpu.memory_space<hbm>>) target_semaphore(%run_scoped3A : memref<!tpu.dma_semaphore, #tpu.memory_space<semaphore_mem>>)
      %dma_wait3A = tpu.memref_slice %arg8[%add3A_36] : memref<2048xf32, #tpu.memory_space<hbm>> -> memref<64xf32, #tpu.memory_space<hbm>>
      %dma_wait3A_44 = tpu.memref_slice %arg8[%add3A_36] : memref<2048xf32, #tpu.memory_space<hbm>> -> memref<64xf32, #tpu.memory_space<hbm>>
      tpu.wait_dma2 semaphore(%run_scoped3A : memref<!tpu.dma_semaphore, #tpu.memory_space<semaphore_mem>>) src(%arg16 : memref<64xf32, #tpu.memory_space<vmem>>) dst(%dma_wait3A_44 : memref<64xf32, #tpu.memory_space<hbm>>)
      tpu.yield
    }) : () -> ()
    return
  }
}

module attributes {stable_mosaic.version = 14 : i64} {
  func.func @_tc_body(%arg0: memref<50000xf32, #tpu.memory_space<vmem>>, %arg1: memref<8x50000xf32, #tpu.memory_space<vmem>>, %arg2: memref<8x50000xf32, #tpu.memory_space<vmem>>, %arg3: memref<50000xi32, #tpu.memory_space<vmem>>, %arg4: memref<50000xi32, #tpu.memory_space<vmem>>, %arg5: memref<53248xf32, #tpu.memory_space<vmem>>, %arg6: memref<53248xf32, #tpu.memory_space<vmem>>, %arg7: memref<53248xf32, #tpu.memory_space<vmem>>, %arg8: memref<53248xi32, #tpu.memory_space<vmem>>) attributes {dimension_semantics = [], scalar_prefetch = 0 : i64, scratch_operands = 0 : i64, tpu.core_type = #tpu.core_type<tc>} {
    %broadcast_in_dim3A = arith.constant 0.000000e+00 : f32
    %broadcast_in_dim3A_0 = vector.broadcast %broadcast_in_dim3A : f32 to vector<53248xf32>
    %swap3A = arith.constant 0 : index
    %swap3A_1 = vector.load %arg5[%swap3A] : memref<53248xf32, #tpu.memory_space<vmem>>, vector<53248xf32>
    tpu.vector_store %arg5[%swap3A], %broadcast_in_dim3A_0 {strides = array<i32>} : memref<53248xf32, #tpu.memory_space<vmem>>, vector<53248xf32>,
    %broadcast_in_dim3A_2 = arith.constant 0.000000e+00 : f32
    %broadcast_in_dim3A_3 = vector.broadcast %broadcast_in_dim3A_2 : f32 to vector<53248xf32>
    %swap3A_4 = arith.constant 0 : index
    %swap3A_5 = vector.load %arg6[%swap3A_4] : memref<53248xf32, #tpu.memory_space<vmem>>, vector<53248xf32>
    tpu.vector_store %arg6[%swap3A_4], %broadcast_in_dim3A_3 {strides = array<i32>} : memref<53248xf32, #tpu.memory_space<vmem>>, vector<53248xf32>,
    %broadcast_in_dim3A_6 = arith.constant 0.000000e+00 : f32
    %broadcast_in_dim3A_7 = vector.broadcast %broadcast_in_dim3A_6 : f32 to vector<53248xf32>
    %swap3A_8 = arith.constant 0 : index
    %swap3A_9 = vector.load %arg7[%swap3A_8] : memref<53248xf32, #tpu.memory_space<vmem>>, vector<53248xf32>
    tpu.vector_store %arg7[%swap3A_8], %broadcast_in_dim3A_7 {strides = array<i32>} : memref<53248xf32, #tpu.memory_space<vmem>>, vector<53248xf32>,
    %broadcast_in_dim3A_10 = arith.constant 0 : i32
    %broadcast_in_dim3A_11 = vector.broadcast %broadcast_in_dim3A_10 : i32 to vector<53248xi32>
    %swap3A_12 = arith.constant 0 : index
    %swap3A_13 = vector.load %arg8[%swap3A_12] : memref<53248xi32, #tpu.memory_space<vmem>>, vector<53248xi32>
    tpu.vector_store %arg8[%swap3A_12], %broadcast_in_dim3A_11 {strides = array<i32>} : memref<53248xi32, #tpu.memory_space<vmem>>, vector<53248xi32>,
    %get3A = arith.constant 0 : index
    %get3A_14 = vector.load %arg0[%get3A] : memref<50000xf32, #tpu.memory_space<vmem>>, vector<50000xf32>
    %get3A_15 = arith.constant 0 : index
    %get3A_16 = arith.constant 0 : index
    %get3A_17 = vector.load %arg1[%get3A_15, %get3A_16] : memref<8x50000xf32, #tpu.memory_space<vmem>>, vector<8x50000xf32>
    %get3A_18 = arith.constant 0 : index
    %get3A_19 = arith.constant 0 : index
    %get3A_20 = vector.load %arg2[%get3A_18, %get3A_19] : memref<8x50000xf32, #tpu.memory_space<vmem>>, vector<8x50000xf32>
    %sub3A = arith.subf %get3A_17, %get3A_20 : vector<8x50000xf32>
    %mul3A = arith.mulf %sub3A, %sub3A : vector<8x50000xf32>
    %reduce_sum3A = arith.constant dense<0.000000e+00> : vector<50000xf32>
    %reduce_sum3A_21 = vector.multi_reduction <add>, %mul3A, %reduce_sum3A [0] : vector<8x50000xf32> to vector<50000xf32>
    %get3A_22 = arith.constant 0 : index
    %get3A_23 = vector.load %arg3[%get3A_22] : memref<50000xi32, #tpu.memory_space<vmem>>, vector<50000xi32>
    %gt3A = arith.constant 0 : i32
    %gt3A_24 = vector.broadcast %gt3A : i32 to vector<50000xi32>
    %gt3A_25 = arith.cmpi sgt, %get3A_23, %gt3A_24 : vector<50000xi32>
    %get3A_26 = arith.constant 0 : index
    %get3A_27 = vector.load %arg4[%get3A_26] : memref<50000xi32, #tpu.memory_space<vmem>>, vector<50000xi32>
    %gt3A_28 = arith.constant 0 : i32
    %gt3A_29 = vector.broadcast %gt3A_28 : i32 to vector<50000xi32>
    %gt3A_30 = arith.cmpi sgt, %get3A_27, %gt3A_29 : vector<50000xi32>
    %and3A = arith.andi %gt3A_25, %gt3A_30 : vector<50000xi1>
    %add3A = arith.constant 1.000000e+00 : f32
    %add3A_31 = vector.broadcast %add3A : f32 to vector<50000xf32>
    %add3A_32 = arith.addf %add3A_31, %get3A_14 : vector<50000xf32>
    %sub3A_33 = arith.constant 1.000000e+00 : f32
    %sub3A_34 = vector.broadcast %sub3A_33 : f32 to vector<50000xf32>
    %sub3A_35 = arith.subf %sub3A_34, %get3A_14 : vector<50000xf32>
    %div3A = arith.divf %add3A_32, %sub3A_35 : vector<50000xf32>
    %log3A = math.log %div3A : vector<50000xf32>
    %mul3A_36 = arith.constant 5.000000e-01 : f32
    %mul3A_37 = vector.broadcast %mul3A_36 : f32 to vector<50000xf32>
    %mul3A_38 = arith.mulf %mul3A_37, %log3A : vector<50000xf32>
    %mul3A_39 = arith.mulf %mul3A_38, %mul3A_38 : vector<50000xf32>
    %jit3A = arith.constant 0.000000e+00 : f32
    %broadcast_in_dim3A_40 = vector.broadcast %jit3A : f32 to vector<50000xf32>
    %select_n3A = arith.select %and3A, %mul3A_39, %broadcast_in_dim3A_40 : vector<50000xi1>, vector<50000xf32>
    %swap3A_41 = arith.constant 0 : index
    %swap3A_42 = vector.load %arg5[%swap3A_41] : memref<53248xf32, #tpu.memory_space<vmem>>, vector<50000xf32>
    tpu.vector_store %arg5[%swap3A_41], %select_n3A {strides = array<i32>} : memref<53248xf32, #tpu.memory_space<vmem>>, vector<50000xf32>,
    %mul3A_43 = arith.mulf %select_n3A, %reduce_sum3A_21 : vector<50000xf32>
    %swap3A_44 = arith.constant 0 : index
    %swap3A_45 = vector.load %arg6[%swap3A_44] : memref<53248xf32, #tpu.memory_space<vmem>>, vector<50000xf32>
    tpu.vector_store %arg6[%swap3A_44], %mul3A_43 {strides = array<i32>} : memref<53248xf32, #tpu.memory_space<vmem>>, vector<50000xf32>,
    %convert_element_type3A = arith.extui %and3A : vector<50000xi1> to vector<50000xi32>
    %convert_element_type3A_46 = arith.sitofp %convert_element_type3A : vector<50000xi32> to vector<50000xf32>
    %swap3A_47 = arith.constant 0 : index
    %swap3A_48 = vector.load %arg7[%swap3A_47] : memref<53248xf32, #tpu.memory_space<vmem>>, vector<50000xf32>
    tpu.vector_store %arg7[%swap3A_47], %convert_element_type3A_46 {strides = array<i32>} : memref<53248xf32, #tpu.memory_space<vmem>>, vector<50000xf32>,
    %swap3A_49 = arith.constant 0 : index
    %swap3A_50 = vector.load %arg8[%swap3A_49] : memref<53248xi32, #tpu.memory_space<vmem>>, vector<50000xi32>
    tpu.vector_store %arg8[%swap3A_49], %get3A_23 {strides = array<i32>} : memref<53248xi32, #tpu.memory_space<vmem>>, vector<50000xi32>,
    return
  }
}

module attributes {stable_mosaic.version = 14 : i64} {
  func.func @_fin_body(%arg0: memref<2048xf32, #tpu.memory_space<vmem>>, %arg1: memref<2048xf32, #tpu.memory_space<vmem>>, %arg2: memref<2048xf32, #tpu.memory_space<vmem>>, %arg3: memref<1x1xf32, #tpu.memory_space<vmem>>) attributes {dimension_semantics = [], scalar_prefetch = 0 : i64, scratch_operands = 0 : i64, tpu.core_type = #tpu.core_type<tc>} {
    %get3A = arith.constant 0 : index
    %get3A_0 = vector.load %arg0[%get3A] : memref<2048xf32, #tpu.memory_space<vmem>>, vector<2048xf32>
    %get3A_1 = arith.constant 0 : index
    %get3A_2 = vector.load %arg1[%get3A_1] : memref<2048xf32, #tpu.memory_space<vmem>>, vector<2048xf32>
    %get3A_3 = arith.constant 0 : index
    %get3A_4 = vector.load %arg2[%get3A_3] : memref<2048xf32, #tpu.memory_space<vmem>>, vector<2048xf32>
    %slice3A = vector.extract_strided_slice %get3A_0 {offsets = [0], sizes = [1024], strides = [1]} : vector<2048xf32> to vector<1024xf32>
    %slice3A_5 = vector.extract_strided_slice %get3A_2 {offsets = [0], sizes = [1024], strides = [1]} : vector<2048xf32> to vector<1024xf32>
    %slice3A_6 = vector.extract_strided_slice %get3A_4 {offsets = [0], sizes = [1024], strides = [1]} : vector<2048xf32> to vector<1024xf32>
    %slice3A_7 = vector.extract_strided_slice %get3A_0 {offsets = [1024], sizes = [1024], strides = [1]} : vector<2048xf32> to vector<1024xf32>
    %add3A = arith.addf %slice3A, %slice3A_7 : vector<1024xf32>
    %slice3A_8 = vector.extract_strided_slice %get3A_2 {offsets = [1024], sizes = [1024], strides = [1]} : vector<2048xf32> to vector<1024xf32>
    %add3A_9 = arith.addf %slice3A_5, %slice3A_8 : vector<1024xf32>
    %slice3A_10 = vector.extract_strided_slice %get3A_4 {offsets = [1024], sizes = [1024], strides = [1]} : vector<2048xf32> to vector<1024xf32>
    %add3A_11 = arith.addf %slice3A_6, %slice3A_10 : vector<1024xf32>
    %gt3A = arith.constant 0.000000e+00 : f32
    %gt3A_12 = vector.broadcast %gt3A : f32 to vector<1024xf32>
    %gt3A_13 = arith.cmpf ogt, %add3A_11, %gt3A_12 : vector<1024xf32>
    %jit3A = arith.constant 1.000000e+00 : f32
    %broadcast_in_dim3A = vector.broadcast %jit3A : f32 to vector<1024xf32>
    %select_n3A = arith.select %gt3A_13, %add3A, %broadcast_in_dim3A : vector<1024xi1>, vector<1024xf32>
    %div3A = arith.divf %add3A_9, %select_n3A : vector<1024xf32>
    %jit3A_14 = arith.constant 0.000000e+00 : f32
    %broadcast_in_dim3A_15 = vector.broadcast %jit3A_14 : f32 to vector<1024xf32>
    %select_n3A_16 = arith.select %gt3A_13, %div3A, %broadcast_in_dim3A_15 : vector<1024xi1>, vector<1024xf32>
    %convert_element_type3A = arith.extui %gt3A_13 : vector<1024xi1> to vector<1024xi32>
    %convert_element_type3A_17 = arith.sitofp %convert_element_type3A : vector<1024xi32> to vector<1024xf32>
    %reduce_sum3A = vector.shape_cast %convert_element_type3A_17 : vector<1024xf32> to vector<1x1024xf32>
    %reduce_sum3A_18 = arith.constant dense<0.000000e+00> : vector<1xf32>
    %reduce_sum3A_19 = vector.multi_reduction <add>, %reduce_sum3A, %reduce_sum3A_18 [1] : vector<1x1024xf32> to vector<1xf32>
    %reduce_sum3A_20 = vector.shape_cast %reduce_sum3A_19 : vector<1xf32> to vector<1x1xf32>
    %reduce_sum3A_21 = vector.extract %reduce_sum3A_20[0, 0] : f32 from vector<1x1xf32>
    %reduce_sum3A_22 = vector.shape_cast %select_n3A_16 : vector<1024xf32> to vector<1x1024xf32>
    %reduce_sum3A_23 = arith.constant dense<0.000000e+00> : vector<1xf32>
    %reduce_sum3A_24 = vector.multi_reduction <add>, %reduce_sum3A_22, %reduce_sum3A_23 [1] : vector<1x1024xf32> to vector<1xf32>
    %reduce_sum3A_25 = vector.shape_cast %reduce_sum3A_24 : vector<1xf32> to vector<1x1xf32>
    %reduce_sum3A_26 = vector.extract %reduce_sum3A_25[0, 0] : f32 from vector<1x1xf32>
    %mul3A = arith.constant 1.000000e+02 : f32
    %mul3A_27 = arith.mulf %mul3A, %reduce_sum3A_26 : f32
    %div3A_28 = arith.divf %mul3A_27, %reduce_sum3A_21 : f32
    %broadcast_in_dim3A_29 = vector.broadcast %div3A_28 : f32 to vector<1x1xf32>
    %swap3A = arith.constant 0 : index
    %swap3A_30 = arith.constant 0 : index
    %swap3A_31 = vector.load %arg3[%swap3A, %swap3A_30] : memref<1x1xf32, #tpu.memory_space<vmem>>, vector<1x1xf32>
    tpu.vector_store %arg3[%swap3A, %swap3A_30], %broadcast_in_dim3A_29 {strides = array<i32>} : memref<1x1xf32, #tpu.memory_space<vmem>>, vector<1x1xf32>,
    return
  }
}

</mosaic_0001>

<sc_bundles>
// kernel: kernel.5.cloned.1.call-start
scs
__scs_entry_jumppad:
0x0: {  	(pc) =	sbr.rel $0x88, $3  }
0x1: {  	(tag) =	ssettag $0x0;
	lr =	simm.s32 $0x1  }
0x2: {  	[smem:$0x3F9C] =	sst lr;
	_ =	strace $0xD0000000  }
0x3: {  	_ = 	snop  }
0x4: {  	_ = 	snop  }
0x5: {  	_ = 	snop  }
0x6: {  	_ = 	snop  }
0x7: {  	_ = 	snop  }
__scs_overlays_trampoline_lowered:
0x8: {  	[smem:$0x3FAB] =	sst s0  }
0x9: {  	[smem:$0x3FAC] =	sst s1  }
0xa: {  	[smem:$0x3FAD] =	sst s2  }
0xb: {  	[smem:$0x3FAE] =	sst s3  }
0xc: {  	[smem:$0x3FAF] =	sst s4  }
0xd: {  	[smem:$0x3FB0] =	sst s5  }
0xe: {  	[smem:$0x3FB1] =	sst s6  }
0xf: {  	[smem:$0x3FB2] =	sst s7  }
0x10: {  	[smem:$0x3FB3] =	sst s8  }
0x11: {  	[smem:$0x3FB4] =	sst s9;
	s0 =	simm.s32 @!p0 $0x0  }
0x12: {  	s1 =	sld [smem:$0x3F9A];
	s0 =	simm.s32 @p0 $0x1  }
0x13: {  	[smem:$0x3FB5] =	sst s0;
	s0 =	simm.s32 @!p1 $0x0  }
0x14: {  	s2 =	sld [smem:$0x3F99];
	s0 =	simm.s32 @p1 $0x1  }
0x15: {  	[smem:$0x3FB6] =	sst s0;
	s0 =	simm.s32 @!p2 $0x0  }
0x16: {  	s3 =	sld [smem:$0x3FDB];
	s0 =	simm.s32 @p2 $0x1  }
0x17: {  	s4 =	simm.s32 $0x1BF5;
	[smem:$0x3FB8] =	sst s0  }
0x18: {  	s0 =	sld [smem:$0x3F9B];
	_ =	swait.ge [sflag:s4], $0x0  }
0x19: {  	s7 =	sld [smem:$0x3F9C]  }
0x1a: {  	s8 =	sadd.s32 $0xFFFFE003, lr  }
0x1b: {  	s9 =	sadd.s32 $0xFFFFFEF7, lr;
	s5 =	simm.s32 $0xFFFFFFFF;
	p2 =	slt.u32 s8, $0xFFFFF086  }
0x1c: {  	p1 =	slt.u32 s9, $0xF7A;
	s5 =	simm.s32 @!p2 $0x0  }
0x1d: {  	s5 =	simm.s32 @p1 $0x1;
	p0 =	seq.s32 s7, s2  }
0x1e: {  	s7 =	smul.u32 @!p0 $0xF7A, s2;
	p2 =	seq.s32 @!p0 s5, $0x0  }
0x1f: {  	s9 =	smul.u32 $0xF7A, s1;
	s8 =	simm.s32 @!p0 $0x1BF5;
	p2 =	por !p2, p0  }
0x20: {  	[sflag:s8] =	ssyncset.s32 @!p0 $0xFFFFF086;
	s6 =	sadd.s32 @!p0 s3, s7;
	s7 =	simm.s32 @!p0 $0x108  }
0x21: {  	s3 =	sadd.s32 s3, s9;
	s6 =	sadd.s32 @!p0 $0x88, s6;
	s7 =	simm.s32 @p2 $0x1082  }
0x22: {  	[simem:s7], [sflag:s8] =	dma.local @!p0 [hbm:s6], $0xF7A  }
0x23: {  	s9 =	sor.u32 $0xD0000000, s2;
	s6 =	simm.s32 $0x108;
	_ =	swait.ge @!p0 [sflag:s8], $0x0  }
0x24: {  	s3 =	sadd.s32 $0x88, s3;
	s6 =	simm.s32 @!p1 $0x1082;
	[sflag:s4] =	ssyncset.s32 $0xFFFFF086  }
0x25: {  	[simem:s6], [sflag:s4] =	dma.local [hbm:s3], $0xF7A  }
0x26: {  	[smem:$0x3F9C] =	sst s1;
	(tag) =	ssettag s2;
	_ =	strace s9  }
0x27: {  	s1 =	sld [smem:$0x3FAC]  }
0x28: {  	s2 =	sld [smem:$0x3FAD]  }
0x29: {  	s4 =	sld [smem:$0x3FAF]  }
0x2a: {  	p0 =	seq.s32 s5, $0x0;
	s5 =	sld [smem:$0x3FB0]  }
0x2b: {  	s6 =	sld [smem:$0x3FB1]  }
0x2c: {  	s7 =	sld [smem:$0x3FB2]  }
0x2d: {  	s3 =	simm.s32 $0x108;
	s8 =	sld [smem:$0x3FB3]  }
0x2e: {  	s3 =	simm.s32 @!p0 $0x1082;
	s9 =	sld [smem:$0x3FB4]  }
0x2f: {  	lr =	sadd.s32 s0, s3;
	s0 =	sld [smem:$0x3FAB]  }
0x30: {  	s3 =	sld [smem:$0x3FAE]  }
0x31: {  	[smem:$0x3FB7] =	sst s10  }
0x32: {  	s10 =	sld [smem:$0x3FB5];
	_ =	sdelay $0x3  }
0x33: {  	p0 =	seq.s32 s10, $0x1;
	s10 =	sld [smem:$0x3FB7];
	_ =	sdelay $0x3  }
0x34: {  	[smem:$0x3FB7] =	sst s10  }
0x35: {  	s10 =	sld [smem:$0x3FB6];
	_ =	sdelay $0x3  }
0x36: {  	p1 =	seq.s32 s10, $0x1;
	s10 =	sld [smem:$0x3FB7];
	_ =	sdelay $0x3  }
0x37: {  	[smem:$0x3FB7] =	sst s10  }
0x38: {  	s10 =	sld [smem:$0x3FB8]  }
0x39: {  	_ = 	snop;
	(pc) =	sbr.ind lr, $3  }
0x3a: {  	_ = 	snop  }
0x3b: {  	_ = 	snop  }
0x3c: {  	p2 =	seq.s32 s10, $0x1;
	s10 =	sld [smem:$0x3FB7]  }
0x3d: {  	_ =	shalt  }
0x3e: {  	_ =	shalt  }
0x3f: {  	_ =	shalt  }
0x40: {  	_ =	shalt  }
0x41: {  	_ =	shalt  }
0x42: {  	_ =	shalt  }
0x43: {  	_ =	shalt  }
0x44: {  	_ =	shalt  }
0x45: {  	_ =	shalt  }
0x46: {  	_ =	shalt  }
0x47: {  	_ =	shalt  }
0x48: {  	_ =	shalt  }
0x49: {  	_ =	shalt  }
0x4a: {  	_ =	shalt  }
0x4b: {  	_ =	shalt  }
0x4c: {  	_ =	shalt  }
0x4d: {  	_ =	shalt  }
0x4e: {  	_ =	shalt  }
0x4f: {  	_ =	shalt  }
0x50: {  	_ =	shalt  }
0x51: {  	_ =	shalt  }
0x52: {  	_ =	shalt  }
0x53: {  	_ =	shalt  }
0x54: {  	_ =	shalt  }
0x55: {  	_ =	shalt  }
0x56: {  	_ =	shalt  }
0x57: {  	_ =	shalt  }
0x58: {  	_ =	shalt  }
0x59: {  	_ =	shalt  }
0x5a: {  	_ =	shalt  }
0x5b: {  	_ =	shalt  }
0x5c: {  	_ =	shalt  }
0x5d: {  	_ =	shalt  }
0x5e: {  	_ =	shalt  }
0x5f: {  	_ =	shalt  }
0x60: {  	_ =	shalt  }
0x61: {  	_ =	shalt  }
0x62: {  	_ =	shalt  }
0x63: {  	_ =	shalt  }
0x64: {  	_ =	shalt  }
0x65: {  	_ =	shalt  }
0x66: {  	_ =	shalt  }
0x67: {  	_ =	shalt  }
0x68: {  	_ =	shalt  }
0x69: {  	_ =	shalt  }
0x6a: {  	_ =	shalt  }
0x6b: {  	_ =	shalt  }
0x6c: {  	_ =	shalt  }
0x6d: {  	_ =	shalt  }
0x6e: {  	_ =	shalt  }
0x6f: {  	_ =	shalt  }
0x70: {  	_ =	shalt  }
0x71: {  	_ =	shalt  }
0x72: {  	_ =	shalt  }
0x73: {  	_ =	shalt  }
0x74: {  	_ =	shalt  }
0x75: {  	_ =	shalt  }
0x76: {  	_ =	shalt  }
0x77: {  	_ =	shalt  }
0x78: {  	_ =	shalt  }
0x79: {  	_ =	shalt  }
0x7a: {  	_ =	shalt  }
0x7b: {  	_ =	shalt  }
0x7c: {  	_ =	shalt  }
0x7d: {  	_ =	shalt  }
0x7e: {  	_ =	shalt  }
0x7f: {  	_ =	shalt  }
0x80: {  	_ =	shalt  }
0x81: {  	_ =	shalt  }
0x82: {  	_ =	shalt  }
0x83: {  	_ =	shalt  }
0x84: {  	_ =	shalt  }
0x85: {  	_ =	shalt  }
0x86: {  	_ =	shalt  }
0x87: {  	_ =	shalt  }
.Lfunc_end0:
.L_simem_size_0:
called_computation_lowered:
.L_overlay_start_0:
0x88: {  	s2 =	sld [smem:$0x3FD9]  }
0x89: {  	s3 =	sld [smem:$0x3FFE];
	_ =	sdelay $0x1  }
0x8a: {  	s1 =	srdreg.scid  }
0x8b: {  	s0 =	sand.u32 $0x1, s1  }
0x8c: {  	s16 =	sshll.u32 s0, $0xA;
	s2 =	sadd.s32 s3, s2  }
0x8d: {  	s2 =	sadd.s32 s2, s16  }
0x8e: {  	[smem:$0x3FC3] =	sst s2  }
0x8f: {  	_ = 	snop  }
0x90: {  	(tm) =	ssettm $0x1  }
0x91: {  	s17 =	sld [smem:$0x3FFB];
	_ =	sdelay $0x3  }
0x92: {  	_ =	strace s17  }
0x93: {  	s2 =	sld [smem:$0x3FFC];
	_ =	sdelay $0x3  }
0x94: {  	_ =	strace s2  }
0x95: {  	s2 =	sld [smem:$0x3FFD];
	_ =	sdelay $0x3  }
0x96: {  	_ =	strace s2  }
0x97: {  	_ =	strace $0x8FFFFFFF  }
0x98: {  	s18 =	sld [smem:$0x3FDB];
	_ =	sdelay $0x1  }
0x99: {  	s19 =	simm.s32 $_scs_section_size  }
0x9a: {  	s4 =	simm.s32 $_size__tile_overlayer_lowered;
	s5 =	simm.s32 $_tile_overlayer_lowered  }
0x9b: {  	s22 =	simm.s32 $0x1BFF;
	s21 =	sshll.u32 s5, $0x1;
	s2 =	sadd.s32 s19, s18  }
0x9c: {  	s6 =	simm.s32 $0x0;
	s20 =	sshll.u32 s4, $0x1;
	s4 =	sadd.s32 s21, s2  }
0x9d: {  	[timem:s6], [sflag:s22] =	dma.local [hbm:s4], s20  }
0x9e: {  	_ =	swait.ge [sflag:s22], s20  }
0x9f: {  	s3 =	ssub.s32 $0x0, s20;
	[sflag:s22] =	ssyncset.done $0x0  }
0xa0: {  	[sflag:s22] =	ssyncadd.s32 s3;
	_ =	sdelay $0x1  }
0xa1: {  	s23 =	simm.s32 $0x1B8B  }
0xa2: {  	_ =	swait.ge [sflag:s23], $0x1  }
0xa3: {  	[sflag:s23] =	ssyncset.done $0x0  }
0xa4: {  	s25 =	simm.s32 $0x1B8E;
	s24 =	sld [smem:$0x3FFE];
	[sflag:s23] =	ssyncadd.s32 $0xFFFFFFFF  }
0xa5: {  	s26 =	simm.s32 $execute0_lowered;
	[smem:$0x3FD2] =	sst s25  }
0xa6: {  	s4 =	sshll.u32 s26, $0x1;
	_ =	strace $0x80000046;
	[dreg:$0x1] =	wrdreg $0xFFFFFFFF  }
0xa7: {  	s28 =	simm.s32 $_size_execute0_lowered;
	s2 =	sadd.s32 s2, s4;
	[dreg:$0x0] =	wrdreg $0x0  }
0xa8: {  	s4 =	sshll.u32 s28, $0x1;
	[dreg:$0x2] =	wrdreg s2  }
0xa9: {  	[dreg:$0x3] =	wrdreg s4  }
0xaa: {  	[dreg:$0x4] =	wrdreg $0xC0  }
0xab: {  	_ =	task [dreg:s6], $0x5FFFF  }
0xac: {  	[dreg:$0x1] =	wrdreg $0xFFFFFFFF  }
0xad: {  	[dreg:$0x0] =	wrdreg $0x60  }
0xae: {  	[dreg:$0x2] =	wrdreg s24  }
0xaf: {  	[dreg:$0x3] =	wrdreg $0x1C000  }
0xb0: {  	[dreg:$0x4] =	wrdreg $0x1C400  }
0xb1: {  	[dreg:$0x5] =	wrdreg $0x1C800  }
0xb2: {  	[dreg:$0x6] =	wrdreg $0x9  }
0xb3: {  	_ =	task.clear_ibuf [dreg:s6], $0x7FFFF;
	_ =	strace $0x90000046  }
0xb4: {  	s29 =	simm.s32 $0x9;
	_ =	strace $0x80000048  }
0xb5: {  	_ =	swait.ge [sflag:s29], $0x1  }
0xb6: {  	[sflag:s29] =	ssyncadd.s32 $0xFFFFFFFF  }
0xb7: {  	_ =	strace $0x90000048  }
0xb8: {  	_ =	sfence  }
0xb9: {  	s30 =	sld [smem:$0x0];
	_ =	sdelay $0x2  }
0xba: {  	s31 =	sshll.u32 s1, $0xD;
	s1 =	sshrl.u32 s1, $0x2  }
0xbb: {  	s3 =	sand.u32 $0x4000, s31;
	s1 =	sadd.s32 s1, s30  }
0xbc: {  	s0 =	sor.u32 s3, s0;
	s1 =	sshll.u32 s1, $0x11  }
0xbd: {  	s0 =	sor.u32 s1, s0  }
0xbe: {  	s0 =	sadd.s32 $0x8F2B, s0  }
0xbf: {  	[sflag:s0] =	ssyncadd.remote.s32 $0x1  }
0xc0: {  	_ =	sfence.sel $0xFFFF  }
0xc1: {  	[dreg:$0x0] =	wrdreg $0xFFFFFFFF;
	(pc) =	sbr.abs _section_cstart, $3  }
0xc2: {  	[dreg:$0x1] =	wrdreg $0xFFFFFFFF  }
0xc3: {  	_ =	task.clear_ibuf [dreg:s6], $0x2FFFF;
	_ =	strace $0x9FFFFFFF  }
0xc4: {  	(tm) =	ssettm $0x7FFFFFFF  }
0xc5: {  	_ =	shalt  }
tec
execute0_lowered:
.L_overlay_start_1:
0x0: {  	(tag) =	ssettag $0x1  }
0x1: {  	s6 =	rddreg [dreg:$0x0]  }
0x2: {  	s1 =	rddreg [dreg:$0x1]  }
0x3: {  	s2 =	srdreg.scid;
	s0 =	stileid.u32  }
0x4: {  	s3 =	rddreg [dreg:$0x2];
	s2 =	sand.u32 $0x1, s2;
	s5 =	sshll.u32 s0, $0x1  }
0x5: {  	s4 =	rddreg [dreg:$0x3];
	s7 =	sor.u32 s2, s5;
	s5 =	simm.s32 $0x0  }
0x6: {  	s25 =	simm.s32 $0x700;
	[smem:$0x7FF] =	sst s5  }
0x7: {  	s26 =	simm.s32 $0xD80;
	_ =	strace $0x80000047;
	[dreg:$0xc] =	wrdreg s25  }
0x8: {  	s10 =	sshll.u32 s0, $0x6;
	s0 =	simm.s32 $0x1400;
	[dreg:$0xd] =	wrdreg s26  }
0x9: {  	s11 =	simm.s32 $0x800;
	[dreg:$0xe] =	wrdreg s0  }
0xa: {  	s12 =	simm.s32 $0xE80;
	[dreg:$0x12] =	wrdreg s11  }
0xb: {  	s13 =	simm.s32 $0x1500;
	[dreg:$0x13] =	wrdreg s12  }
0xc: {  	s14 =	simm.s32 $0x880;
	[dreg:$0x14] =	wrdreg s13  }
0xd: {  	s15 =	simm.s32 $0xF00;
	[dreg:$0x15] =	wrdreg s14  }
0xe: {  	s16 =	simm.s32 $0x1580;
	[dreg:$0x16] =	wrdreg s15  }
0xf: {  	s17 =	simm.s32 $0x900;
	[dreg:$0x17] =	wrdreg s16  }
0x10: {  	s18 =	simm.s32 $0xF80;
	[dreg:$0x18] =	wrdreg s17  }
0x11: {  	s19 =	simm.s32 $0x1600;
	[dreg:$0x19] =	wrdreg s18  }
0x12: {  	s20 =	simm.s32 $0x980;
	[dreg:$0x1a] =	wrdreg s19  }
0x13: {  	[dreg:$0x1b] =	wrdreg s20;
	s25 =	simm.s32 $0x1700  }
0x14: {  	s26 =	simm.s32 $0xA80;
	[smem:$0x7EF] =	sst s25  }
0x15: {  	s0 =	simm.s32 $0x1100;
	[smem:$0x7F0] =	sst s26  }
0x16: {  	s11 =	simm.s32 $0x1800;
	[smem:$0x7F1] =	sst s0  }
0x17: {  	s12 =	simm.s32 $0xB80;
	[smem:$0x7F5] =	sst s11  }
0x18: {  	s13 =	simm.s32 $0x1200;
	[smem:$0x7F6] =	sst s12  }
0x19: {  	s8 =	sshll.u32 s2, $0xA;
	s14 =	simm.s32 $0x1880;
	[smem:$0x7F7] =	sst s13  }
0x1a: {  	s7 =	smul.u32 $0xD0, s7;
	s15 =	simm.s32 $0xC00;
	[smem:$0x7F8] =	sst s14  }
0x1b: {  	s8 =	sor.u32 s10, s8;
	s16 =	simm.s32 $0x1280;
	[smem:$0x7F9] =	sst s15  }
0x1c: {  	s8 =	sshrl.u32 s8, $0x3;
	s17 =	simm.s32 $0x1900;
	[smem:$0x7FA] =	sst s16  }
0x1d: {  	s18 =	simm.s32 $0xC80;
	s7 =	sadd.s32 s7, s6;
	[smem:$0x7FB] =	sst s17  }
0x1e: {  	s6 =	sadd.s32 s8, s6;
	s8 =	simm.s32 $0xE00;
	[smem:$0x7FC] =	sst s18  }
0x1f: {  	s9 =	sadd.s32 $0x7000, s7;
	[dreg:$0x10] =	wrdreg s8  }
0x20: {  	s21 =	sadd.s32 $0x2200, s7;
	[dreg:$0x5] =	wrdreg s9  }
0x21: {  	s22 =	sadd.s32 $0x3C00, s7;
	[dreg:$0x6] =	wrdreg s21  }
0x22: {  	s7 =	sadd.s32 $0x5600, s7;
	[dreg:$0x7] =	wrdreg s22  }
0x23: {  	s23 =	sadd.s32 $0x8A00, s6;
	[dreg:$0x8] =	wrdreg s7  }
0x24: {  	s24 =	sadd.s32 $0x8C00, s6;
	[dreg:$0x9] =	wrdreg s23  }
0x25: {  	s6 =	sadd.s32 $0x8E00, s6;
	[dreg:$0xa] =	wrdreg s24  }
0x26: {  	s8 =	simm.s32 $0xB00;
	[dreg:$0xb] =	wrdreg s6  }
0x27: {  	s7 =	simm.s32 $0x780;
	[smem:$0x7F3] =	sst s8  }
0x28: {  	s9 =	simm.s32 $0x1480;
	[dreg:$0xf] =	wrdreg s7  }
0x29: {  	v0 =	vimm.f32 $0.0e+00;
	s21 =	simm.s32 $0x1000;
	[dreg:$0x11] =	wrdreg s9  }
0x2a: {  	[tilespmem:$0x1A20] =	vst v0;
	s22 =	simm.s32 $0x1680;
	[dreg:$0x1c] =	wrdreg s21  }
0x2b: {  	[tilespmem:$0x1A00] =	vst v0;
	s23 =	simm.s32 $0xA00;
	[dreg:$0x1d] =	wrdreg s22  }
0x2c: {  	[tilespmem:$0x1A30] =	vst v0;
	s24 =	simm.s32 $0x1080;
	s6 =	sadd.s32 s10, s1;
	[dreg:$0x1e] =	wrdreg s23  }
0x2d: {  	[tilespmem:$0x1A10] =	vst v0;
	s8 =	simm.s32 $0x1A00;
	[dreg:$0x1f] =	wrdreg s24;
	s7 =	simm.s32 $0x1780  }
0x2e: {  	[spmem:s6] =	stream.linear.scatter [tilespmem:s8], [sflag:$0x1], $0x40, $0x38;
	[tilespmem:$0x1CC0] =	vst v63  }
0x2f: {  	s9 =	simm.s32 $0x1180;
	[smem:$0x7F2] =	sst s7  }
0x30: {  	[smem:$0x7F4] =	sst s9;
	s7 =	simm.s32 $0x1  }
0x31: {  	_ =	swait.ge [sflag:s7], $0x40  }
0x32: {  	[sflag:s7] =	ssyncset.done $0x0  }
0x33: {  	s9 =	sadd.s32 s10, s3;
	[sflag:s7] =	ssyncadd.s32 $0xFFFFFFC0  }
0x34: {  	[spmem:s9] =	stream.linear.scatter [tilespmem:s8], [sflag:$0x1], $0x40, $0x38;
	[tilespmem:$0x1CC0] =	vst v63  }
0x35: {  	_ =	swait.ge [sflag:s7], $0x40  }
0x36: {  	[sflag:s7] =	ssyncset.done $0x0  }
0x37: {  	s10 =	sadd.s32 s10, s4;
	[sflag:s7] =	ssyncadd.s32 $0xFFFFFFC0  }
0x38: {  	[spmem:s10] =	stream.linear.scatter [tilespmem:s8], [sflag:$0x1], $0x40, $0x38;
	[tilespmem:$0x1CC0] =	vst v63  }
0x39: {  	_ =	swait.ge [sflag:s7], $0x40  }
0x3a: {  	[sflag:s7] =	ssyncset.done $0x0  }
0x3b: {  	s11 =	rddreg [dreg:$0x5];
	[sflag:s7] =	ssyncadd.s32 $0xFFFFFFC0  }
0x3c: {  	[tilespmem:s5], [sflag:$0x1] =	stream.linear.gather [hbm4b:s11+s5], $0x680, $0x38;
	[tilespmem:$0x1CC0] =	vst v63  }
0x3d: {  	_ =	swait.ge [sflag:s7], $0x680  }
0x3e: {  	[sflag:s7] =	ssyncset.done $0x0  }
0x3f: {  	s11 =	simm.s32 $0x680;
	s12 =	rddreg [dreg:$0x6];
	[sflag:s7] =	ssyncadd.s32 $0xFFFFF980  }
0x40: {  	[tilespmem:s11], [sflag:$0x1] =	stream.linear.gather [hbm4b:s12+s5], $0x680, $0x38;
	[tilespmem:$0x1CC0] =	vst v63  }
0x41: {  	_ =	swait.ge [sflag:s7], $0x680  }
0x42: {  	[sflag:s7] =	ssyncset.done $0x0  }
0x43: {  	s12 =	simm.s32 $0xD00;
	s13 =	rddreg [dreg:$0x7];
	[sflag:s7] =	ssyncadd.s32 $0xFFFFF980  }
0x44: {  	[tilespmem:s12], [sflag:$0x1] =	stream.linear.gather [hbm4b:s13+s5], $0x680, $0x38;
	[tilespmem:$0x1CC0] =	vst v63  }
0x45: {  	_ =	swait.ge [sflag:s7], $0x680  }
0x46: {  	[sflag:s7] =	ssyncset.done $0x0  }
0x47: {  	s13 =	simm.s32 $0x1380;
	s14 =	rddreg [dreg:$0x8];
	[sflag:s7] =	ssyncadd.s32 $0xFFFFF980  }
0x48: {  	[tilespmem:s13], [sflag:$0x1] =	stream.linear.gather [hbm4b:s14+s5], $0x680, $0x38;
	[tilespmem:$0x1CC0] =	vst v63  }
0x49: {  	_ =	swait.ge [sflag:s7], $0x680  }
0x4a: {  	[sflag:s7] =	ssyncset.done $0x0  }
0x4b: {  	[sflag:s7] =	ssyncadd.s32 $0xFFFFF980  }
0x4c: {  	s14 =	simm.s32 $0x80;
	[bflag:$0x0] =	sbarrier.arrive $0xFFFF  }
0x4d: {  	[spmem:s1] =	stream.indirect.scatter.add.f32 [tilespmem:s11], [sflag:$0x1], $0x1, s5, s14, $0xb8;
	[tilespmem:$0x1CC0] =	vst v63  }
0x4e: {  	_ =	swait.ge [sflag:s7], $0x80  }
0x4f: {  	[sflag:s7] =	ssyncset.done $0x0  }
0x50: {  	[sflag:s7] =	ssyncadd.s32 $0xFFFFFF80  }
0x51: {  	[spmem:s3] =	stream.indirect.scatter.add.f32 [tilespmem:s12], [sflag:$0x1], $0x1, s5, s14, $0xb8;
	[tilespmem:$0x1CC0] =	vst v63  }
0x52: {  	_ =	swait.ge [sflag:s7], $0x80  }
0x53: {  	[sflag:s7] =	ssyncset.done $0x0  }
0x54: {  	[sflag:s7] =	ssyncadd.s32 $0xFFFFFF80  }
0x55: {  	[spmem:s4] =	stream.indirect.scatter.add.f32 [tilespmem:s13], [sflag:$0x1], $0x1, s5, s14, $0xb8;
	[tilespmem:$0x1CC0] =	vst v63  }
0x56: {  	_ =	swait.ge [sflag:s7], $0x80  }
0x57: {  	[sflag:s7] =	ssyncset.done $0x0  }
0x58: {  	s15 =	rddreg [dreg:$0xc];
	[sflag:s7] =	ssyncadd.s32 $0xFFFFFF80  }
0x59: {  	[spmem:s1] =	stream.indirect.scatter.add.f32 [tilespmem:s15], [sflag:$0x1], $0x1, s14, s14, $0xb8;
	[tilespmem:$0x1CC0] =	vst v63  }
0x5a: {  	_ =	swait.ge [sflag:s7], $0x80  }
0x5b: {  	[sflag:s7] =	ssyncset.done $0x0  }
0x5c: {  	s19 =	rddreg [dreg:$0xd];
	[sflag:s7] =	ssyncadd.s32 $0xFFFFFF80  }
0x5d: {  	[spmem:s3] =	stream.indirect.scatter.add.f32 [tilespmem:s19], [sflag:$0x1], $0x1, s14, s14, $0xb8;
	[tilespmem:$0x1CC0] =	vst v63  }
0x5e: {  	_ =	swait.ge [sflag:s7], $0x80  }
0x5f: {  	[sflag:s7] =	ssyncset.done $0x0  }
0x60: {  	s20 =	rddreg [dreg:$0xe];
	[sflag:s7] =	ssyncadd.s32 $0xFFFFFF80  }
0x61: {  	[spmem:s4] =	stream.indirect.scatter.add.f32 [tilespmem:s20], [sflag:$0x1], $0x1, s14, s14, $0xb8;
	[tilespmem:$0x1CC0] =	vst v63  }
0x62: {  	_ =	swait.ge [sflag:s7], $0x80  }
0x63: {  	[sflag:s7] =	ssyncset.done $0x0  }
0x64: {  	s15 =	simm.s32 $0x100;
	s16 =	rddreg [dreg:$0xf];
	[sflag:s7] =	ssyncadd.s32 $0xFFFFFF80  }
0x65: {  	[spmem:s1] =	stream.indirect.scatter.add.f32 [tilespmem:s16], [sflag:$0x1], $0x1, s15, s14, $0xb8;
	[tilespmem:$0x1CC0] =	vst v63  }
0x66: {  	_ =	swait.ge [sflag:s7], $0x80  }
0x67: {  	[sflag:s7] =	ssyncset.done $0x0  }
0x68: {  	s21 =	rddreg [dreg:$0x10];
	[sflag:s7] =	ssyncadd.s32 $0xFFFFFF80  }
0x69: {  	[spmem:s3] =	stream.indirect.scatter.add.f32 [tilespmem:s21], [sflag:$0x1], $0x1, s15, s14, $0xb8;
	[tilespmem:$0x1CC0] =	vst v63  }
0x6a: {  	_ =	swait.ge [sflag:s7], $0x80  }
0x6b: {  	[sflag:s7] =	ssyncset.done $0x0  }
0x6c: {  	s22 =	rddreg [dreg:$0x11];
	[sflag:s7] =	ssyncadd.s32 $0xFFFFFF80  }
0x6d: {  	[spmem:s4] =	stream.indirect.scatter.add.f32 [tilespmem:s22], [sflag:$0x1], $0x1, s15, s14, $0xb8;
	[tilespmem:$0x1CC0] =	vst v63  }
0x6e: {  	_ =	swait.ge [sflag:s7], $0x80  }
0x6f: {  	[sflag:s7] =	ssyncset.done $0x0  }
0x70: {  	s16 =	simm.s32 $0x180;
	s17 =	rddreg [dreg:$0x12];
	[sflag:s7] =	ssyncadd.s32 $0xFFFFFF80  }
0x71: {  	[spmem:s1] =	stream.indirect.scatter.add.f32 [tilespmem:s17], [sflag:$0x1], $0x1, s16, s14, $0xb8;
	[tilespmem:$0x1CC0] =	vst v63  }
0x72: {  	_ =	swait.ge [sflag:s7], $0x80  }
0x73: {  	[sflag:s7] =	ssyncset.done $0x0  }
0x74: {  	s23 =	rddreg [dreg:$0x13];
	[sflag:s7] =	ssyncadd.s32 $0xFFFFFF80  }
0x75: {  	[spmem:s3] =	stream.indirect.scatter.add.f32 [tilespmem:s23], [sflag:$0x1], $0x1, s16, s14, $0xb8;
	[tilespmem:$0x1CC0] =	vst v63  }
0x76: {  	_ =	swait.ge [sflag:s7], $0x80  }
0x77: {  	[sflag:s7] =	ssyncset.done $0x0  }
0x78: {  	s24 =	rddreg [dreg:$0x14];
	[sflag:s7] =	ssyncadd.s32 $0xFFFFFF80  }
0x79: {  	[spmem:s4] =	stream.indirect.scatter.add.f32 [tilespmem:s24], [sflag:$0x1], $0x1, s16, s14, $0xb8;
	[tilespmem:$0x1CC0] =	vst v63  }
0x7a: {  	_ =	swait.ge [sflag:s7], $0x80  }
0x7b: {  	[sflag:s7] =	ssyncset.done $0x0  }
0x7c: {  	s17 =	simm.s32 $0x200;
	s18 =	rddreg [dreg:$0x15];
	[sflag:s7] =	ssyncadd.s32 $0xFFFFFF80  }
0x7d: {  	[spmem:s1] =	stream.indirect.scatter.add.f32 [tilespmem:s18], [sflag:$0x1], $0x1, s17, s14, $0xb8;
	[tilespmem:$0x1CC0] =	vst v63  }
0x7e: {  	_ =	swait.ge [sflag:s7], $0x80  }
0x7f: {  	[sflag:s7] =	ssyncset.done $0x0  }
0x80: {  	s25 =	rddreg [dreg:$0x16];
	[sflag:s7] =	ssyncadd.s32 $0xFFFFFF80  }
0x81: {  	[spmem:s3] =	stream.indirect.scatter.add.f32 [tilespmem:s25], [sflag:$0x1], $0x1, s17, s14, $0xb8;
	[tilespmem:$0x1CC0] =	vst v63  }
0x82: {  	_ =	swait.ge [sflag:s7], $0x80  }
0x83: {  	[sflag:s7] =	ssyncset.done $0x0  }
0x84: {  	s26 =	rddreg [dreg:$0x17];
	[sflag:s7] =	ssyncadd.s32 $0xFFFFFF80  }
0x85: {  	[spmem:s4] =	stream.indirect.scatter.add.f32 [tilespmem:s26], [sflag:$0x1], $0x1, s17, s14, $0xb8;
	[tilespmem:$0x1CC0] =	vst v63  }
0x86: {  	_ =	swait.ge [sflag:s7], $0x80  }
0x87: {  	[sflag:s7] =	ssyncset.done $0x0  }
0x88: {  	s18 =	simm.s32 $0x280;
	s19 =	rddreg [dreg:$0x18];
	[sflag:s7] =	ssyncadd.s32 $0xFFFFFF80  }
0x89: {  	[spmem:s1] =	stream.indirect.scatter.add.f32 [tilespmem:s19], [sflag:$0x1], $0x1, s18, s14, $0xb8;
	[tilespmem:$0x1CC0] =	vst v63  }
0x8a: {  	_ =	swait.ge [sflag:s7], $0x80  }
0x8b: {  	[sflag:s7] =	ssyncset.done $0x0  }
0x8c: {  	s0 =	rddreg [dreg:$0x19];
	[sflag:s7] =	ssyncadd.s32 $0xFFFFFF80  }
0x8d: {  	[spmem:s3] =	stream.indirect.scatter.add.f32 [tilespmem:s0], [sflag:$0x1], $0x1, s18, s14, $0xb8;
	[tilespmem:$0x1CC0] =	vst v63  }
0x8e: {  	_ =	swait.ge [sflag:s7], $0x80  }
0x8f: {  	[sflag:s7] =	ssyncset.done $0x0  }
0x90: {  	s20 =	rddreg [dreg:$0x1a];
	[sflag:s7] =	ssyncadd.s32 $0xFFFFFF80  }
0x91: {  	[spmem:s4] =	stream.indirect.scatter.add.f32 [tilespmem:s20], [sflag:$0x1], $0x1, s18, s14, $0xb8;
	[tilespmem:$0x1CC0] =	vst v63  }
0x92: {  	_ =	swait.ge [sflag:s7], $0x80  }
0x93: {  	[sflag:s7] =	ssyncset.done $0x0  }
0x94: {  	s19 =	simm.s32 $0x300;
	s20 =	rddreg [dreg:$0x1b];
	[sflag:s7] =	ssyncadd.s32 $0xFFFFFF80  }
0x95: {  	[spmem:s1] =	stream.indirect.scatter.add.f32 [tilespmem:s20], [sflag:$0x1], $0x1, s19, s14, $0xb8;
	[tilespmem:$0x1CC0] =	vst v63  }
0x96: {  	_ =	swait.ge [sflag:s7], $0x80  }
0x97: {  	[sflag:s7] =	ssyncset.done $0x0  }
0x98: {  	s21 =	rddreg [dreg:$0x1c];
	[sflag:s7] =	ssyncadd.s32 $0xFFFFFF80  }
0x99: {  	[spmem:s3] =	stream.indirect.scatter.add.f32 [tilespmem:s21], [sflag:$0x1], $0x1, s19, s14, $0xb8;
	[tilespmem:$0x1CC0] =	vst v63  }
0x9a: {  	_ =	swait.ge [sflag:s7], $0x80  }
0x9b: {  	[sflag:s7] =	ssyncset.done $0x0  }
0x9c: {  	s22 =	rddreg [dreg:$0x1d];
	[sflag:s7] =	ssyncadd.s32 $0xFFFFFF80  }
0x9d: {  	[spmem:s4] =	stream.indirect.scatter.add.f32 [tilespmem:s22], [sflag:$0x1], $0x1, s19, s14, $0xb8;
	[tilespmem:$0x1CC0] =	vst v63  }
0x9e: {  	_ =	swait.ge [sflag:s7], $0x80  }
0x9f: {  	[sflag:s7] =	ssyncset.done $0x0  }
0xa0: {  	s20 =	simm.s32 $0x380;
	s21 =	rddreg [dreg:$0x1e];
	[sflag:s7] =	ssyncadd.s32 $0xFFFFFF80  }
0xa1: {  	[spmem:s1] =	stream.indirect.scatter.add.f32 [tilespmem:s21], [sflag:$0x1], $0x1, s20, s14, $0xb8;
	[tilespmem:$0x1CC0] =	vst v63  }
0xa2: {  	_ =	swait.ge [sflag:s7], $0x80  }
0xa3: {  	[sflag:s7] =	ssyncset.done $0x0  }
0xa4: {  	s23 =	rddreg [dreg:$0x1f];
	[sflag:s7] =	ssyncadd.s32 $0xFFFFFF80  }
0xa5: {  	[spmem:s3] =	stream.indirect.scatter.add.f32 [tilespmem:s23], [sflag:$0x1], $0x1, s20, s14, $0xb8;
	[tilespmem:$0x1CC0] =	vst v63  }
0xa6: {  	_ =	swait.ge [sflag:s7], $0x80  }
0xa7: {  	s24 =	sld [smem:$0x7EF]  }
0xa8: {  	[sflag:s7] =	ssyncset.done $0x0  }
0xa9: {  	[sflag:s7] =	ssyncadd.s32 $0xFFFFFF80  }
0xaa: {  	[spmem:s4] =	stream.indirect.scatter.add.f32 [tilespmem:s24], [sflag:$0x1], $0x1, s20, s14, $0xb8;
	[tilespmem:$0x1CC0] =	vst v63  }
0xab: {  	_ =	swait.ge [sflag:s7], $0x80  }
0xac: {  	s22 =	sld [smem:$0x7F0]  }
0xad: {  	[sflag:s7] =	ssyncset.done $0x0  }
0xae: {  	s21 =	simm.s32 $0x400;
	[sflag:s7] =	ssyncadd.s32 $0xFFFFFF80  }
0xaf: {  	[spmem:s1] =	stream.indirect.scatter.add.f32 [tilespmem:s22], [sflag:$0x1], $0x1, s21, s14, $0xb8;
	[tilespmem:$0x1CC0] =	vst v63  }
0xb0: {  	_ =	swait.ge [sflag:s7], $0x80  }
0xb1: {  	s25 =	sld [smem:$0x7F1]  }
0xb2: {  	[sflag:s7] =	ssyncset.done $0x0  }
0xb3: {  	[sflag:s7] =	ssyncadd.s32 $0xFFFFFF80  }
0xb4: {  	[spmem:s3] =	stream.indirect.scatter.add.f32 [tilespmem:s25], [sflag:$0x1], $0x1, s21, s14, $0xb8;
	[tilespmem:$0x1CC0] =	vst v63  }
0xb5: {  	_ =	swait.ge [sflag:s7], $0x80  }
0xb6: {  	s26 =	sld [smem:$0x7F2]  }
0xb7: {  	[sflag:s7] =	ssyncset.done $0x0  }
0xb8: {  	[sflag:s7] =	ssyncadd.s32 $0xFFFFFF80  }
0xb9: {  	[spmem:s4] =	stream.indirect.scatter.add.f32 [tilespmem:s26], [sflag:$0x1], $0x1, s21, s14, $0xb8;
	[tilespmem:$0x1CC0] =	vst v63  }
0xba: {  	_ =	swait.ge [sflag:s7], $0x80  }
0xbb: {  	s23 =	sld [smem:$0x7F3]  }
0xbc: {  	[sflag:s7] =	ssyncset.done $0x0  }
0xbd: {  	s22 =	simm.s32 $0x480;
	[sflag:s7] =	ssyncadd.s32 $0xFFFFFF80  }
0xbe: {  	[spmem:s1] =	stream.indirect.scatter.add.f32 [tilespmem:s23], [sflag:$0x1], $0x1, s22, s14, $0xb8;
	[tilespmem:$0x1CC0] =	vst v63  }
0xbf: {  	_ =	swait.ge [sflag:s7], $0x80  }
0xc0: {  	s0 =	sld [smem:$0x7F4]  }
0xc1: {  	[sflag:s7] =	ssyncset.done $0x0  }
0xc2: {  	[sflag:s7] =	ssyncadd.s32 $0xFFFFFF80  }
0xc3: {  	[spmem:s3] =	stream.indirect.scatter.add.f32 [tilespmem:s0], [sflag:$0x1], $0x1, s22, s14, $0xb8;
	[tilespmem:$0x1CC0] =	vst v63  }
0xc4: {  	_ =	swait.ge [sflag:s7], $0x80  }
0xc5: {  	s24 =	sld [smem:$0x7F5]  }
0xc6: {  	[sflag:s7] =	ssyncset.done $0x0  }
0xc7: {  	[sflag:s7] =	ssyncadd.s32 $0xFFFFFF80  }
0xc8: {  	[spmem:s4] =	stream.indirect.scatter.add.f32 [tilespmem:s24], [sflag:$0x1], $0x1, s22, s14, $0xb8;
	[tilespmem:$0x1CC0] =	vst v63  }
0xc9: {  	_ =	swait.ge [sflag:s7], $0x80  }
0xca: {  	s24 =	sld [smem:$0x7F6]  }
0xcb: {  	[sflag:s7] =	ssyncset.done $0x0  }
0xcc: {  	s23 =	simm.s32 $0x500;
	[sflag:s7] =	ssyncadd.s32 $0xFFFFFF80  }
0xcd: {  	[spmem:s1] =	stream.indirect.scatter.add.f32 [tilespmem:s24], [sflag:$0x1], $0x1, s23, s14, $0xb8;
	[tilespmem:$0x1CC0] =	vst v63  }
0xce: {  	_ =	swait.ge [sflag:s7], $0x80  }
0xcf: {  	s25 =	sld [smem:$0x7F7]  }
0xd0: {  	[sflag:s7] =	ssyncset.done $0x0  }
0xd1: {  	[sflag:s7] =	ssyncadd.s32 $0xFFFFFF80  }
0xd2: {  	[spmem:s3] =	stream.indirect.scatter.add.f32 [tilespmem:s25], [sflag:$0x1], $0x1, s23, s14, $0xb8;
	[tilespmem:$0x1CC0] =	vst v63  }
0xd3: {  	_ =	swait.ge [sflag:s7], $0x80  }
0xd4: {  	s26 =	sld [smem:$0x7F8]  }
0xd5: {  	[sflag:s7] =	ssyncset.done $0x0  }
0xd6: {  	[sflag:s7] =	ssyncadd.s32 $0xFFFFFF80  }
0xd7: {  	[spmem:s4] =	stream.indirect.scatter.add.f32 [tilespmem:s26], [sflag:$0x1], $0x1, s23, s14, $0xb8;
	[tilespmem:$0x1CC0] =	vst v63  }
0xd8: {  	_ =	swait.ge [sflag:s7], $0x80  }
0xd9: {  	s25 =	sld [smem:$0x7F9]  }
0xda: {  	[sflag:s7] =	ssyncset.done $0x0  }
0xdb: {  	s24 =	simm.s32 $0x580;
	[sflag:s7] =	ssyncadd.s32 $0xFFFFFF80  }
0xdc: {  	[spmem:s1] =	stream.indirect.scatter.add.f32 [tilespmem:s25], [sflag:$0x1], $0x1, s24, s14, $0xb8;
	[tilespmem:$0x1CC0] =	vst v63  }
0xdd: {  	_ =	swait.ge [sflag:s7], $0x80  }
0xde: {  	s0 =	sld [smem:$0x7FA]  }
0xdf: {  	[sflag:s7] =	ssyncset.done $0x0  }
0xe0: {  	[sflag:s7] =	ssyncadd.s32 $0xFFFFFF80  }
0xe1: {  	[spmem:s3] =	stream.indirect.scatter.add.f32 [tilespmem:s0], [sflag:$0x1], $0x1, s24, s14, $0xb8;
	[tilespmem:$0x1CC0] =	vst v63  }
0xe2: {  	_ =	swait.ge [sflag:s7], $0x80  }
0xe3: {  	s26 =	sld [smem:$0x7FB]  }
0xe4: {  	[sflag:s7] =	ssyncset.done $0x0  }
0xe5: {  	[sflag:s7] =	ssyncadd.s32 $0xFFFFFF80  }
0xe6: {  	[spmem:s4] =	stream.indirect.scatter.add.f32 [tilespmem:s26], [sflag:$0x1], $0x1, s24, s14, $0xb8;
	[tilespmem:$0x1CC0] =	vst v63  }
0xe7: {  	_ =	swait.ge [sflag:s7], $0x80  }
0xe8: {  	s26 =	sld [smem:$0x7FC]  }
0xe9: {  	[sflag:s7] =	ssyncset.done $0x0  }
0xea: {  	s25 =	simm.s32 $0x600;
	[sflag:s7] =	ssyncadd.s32 $0xFFFFFF80  }
0xeb: {  	[spmem:s1] =	stream.indirect.scatter.add.f32 [tilespmem:s26], [sflag:$0x1], $0x1, s25, s14, $0xb8;
	[tilespmem:$0x1CC0] =	vst v63  }
0xec: {  	_ =	swait.ge [sflag:s7], $0x80  }
0xed: {  	[sflag:s7] =	ssyncset.done $0x0  }
0xee: {  	s26 =	simm.s32 $0x1300;
	[sflag:s7] =	ssyncadd.s32 $0xFFFFFF80  }
0xef: {  	[spmem:s3] =	stream.indirect.scatter.add.f32 [tilespmem:s26], [sflag:$0x1], $0x1, s25, s14, $0xb8;
	[tilespmem:$0x1CC0] =	vst v63  }
0xf0: {  	_ =	swait.ge [sflag:s7], $0x80  }
0xf1: {  	[sflag:s7] =	ssyncset.done $0x0  }
0xf2: {  	s28 =	simm.s32 $0x1980;
	[sflag:s7] =	ssyncadd.s32 $0xFFFFFF80  }
0xf3: {  	[spmem:s4] =	stream.indirect.scatter.add.f32 [tilespmem:s28], [sflag:$0x1], $0x1, s25, s14, $0xb8;
	[tilespmem:$0x1CC0] =	vst v63  }
0xf4: {  	_ =	swait.ge [sflag:s7], $0x80  }
0xf5: {  	[sflag:s7] =	ssyncset.done $0x0  }
0xf6: {  	[sflag:s7] =	ssyncadd.s32 $0xFFFFFF80  }
0xf7: {  	s29 =	simm.s32 $0x1A80;
	[bflag:$0x0] =	sbarrier.arrive $0xFFFF  }
0xf8: {  	[tilespmem:s29], [sflag:$0x1] =	stream.linear.gather [spmem:s6], $0x40, $0x38;
	[tilespmem:$0x1CC0] =	vst v63  }
0xf9: {  	_ =	swait.ge [sflag:s7], $0x40  }
0xfa: {  	[sflag:s7] =	ssyncset.done $0x0  }
0xfb: {  	s30 =	simm.s32 $0x1B00;
	[sflag:s7] =	ssyncadd.s32 $0xFFFFFFC0  }
0xfc: {  	[tilespmem:s30], [sflag:$0x1] =	stream.linear.gather [spmem:s9], $0x40, $0x38;
	[tilespmem:$0x1CC0] =	vst v63  }
0xfd: {  	_ =	swait.ge [sflag:s7], $0x40  }
0xfe: {  	[sflag:s7] =	ssyncset.done $0x0  }
0xff: {  	s31 =	simm.s32 $0x1B80;
	[sflag:s7] =	ssyncadd.s32 $0xFFFFFFC0  }
0x100: {  	[tilespmem:s31], [sflag:$0x1] =	stream.linear.gather [spmem:s10], $0x40, $0x38;
	[tilespmem:$0x1CC0] =	vst v63  }
0x101: {  	_ =	swait.ge [sflag:s7], $0x40  }
0x102: {  	[sflag:s7] =	ssyncset.done $0x0  }
0x103: {  	s0 =	rddreg [dreg:$0x9];
	[sflag:s7] =	ssyncadd.s32 $0xFFFFFFC0  }
0x104: {  	[hbm4b:s0+s5] =	stream.linear.scatter [tilespmem:s29], [sflag:$0x1], $0x40, $0x38;
	[tilespmem:$0x1CC0] =	vst v63  }
0x105: {  	_ =	swait.ge [sflag:s7], $0x40  }
0x106: {  	[sflag:s7] =	ssyncset.done $0x0  }
0x107: {  	s0 =	rddreg [dreg:$0xa];
	[sflag:s7] =	ssyncadd.s32 $0xFFFFFFC0  }
0x108: {  	[hbm4b:s0+s5] =	stream.linear.scatter [tilespmem:s30], [sflag:$0x1], $0x40, $0x38;
	[tilespmem:$0x1CC0] =	vst v63  }
0x109: {  	_ =	swait.ge [sflag:s7], $0x40  }
0x10a: {  	s0 =	ssub.s32 $0x2, s2;
	s2 =	rddreg [dreg:$0xb]  }
0x10b: {  	[smem:$0x7FD] =	sst s2;
	s2 =	sshrl.u32 s0, $0x1  }
0x10c: {  	s0 =	ssub.s32 s0, s2  }
0x10d: {  	s0 =	smax.u32 s0, $0x1  }
0x10e: {  	s2 =	sld [smem:$0x7FD];
	p0 =	sne.s32 s0, $0x1  }
.Ltmp0:
0x10f: {  	[sflag:s7] =	ssyncset.done $0x0;
	(pc) =	sbr.rel @!p0 .LBB2_2-.Ltmp0, $4  }
0x110: {  	[sflag:s7] =	ssyncadd.s32 $0xFFFFFFC0  }
0x111: {  	[hbm4b:s2+s5] =	stream.linear.scatter [tilespmem:s31], [sflag:$0x1], $0x40, $0x38;
	[tilespmem:$0x1CC0] =	vst v63  }
0x112: {  	_ =	swait.ge [sflag:s7], $0x40  }
0x113: {  	s2 =	sadd.s32 $0xFFFFFFFF, s0;
	[sflag:s7] =	ssyncset.done $0x0  }
.LBB2_1:
0x114: {  	[sflag:s7] =	ssyncadd.s32 $0xFFFFFFC0  }
0x115: {  	[tilespmem:$0x1A20] =	vst v0  }
0x116: {  	[tilespmem:$0x1A00] =	vst v0  }
0x117: {  	[tilespmem:$0x1A30] =	vst v0  }
0x118: {  	[tilespmem:$0x1A10] =	vst v0  }
0x119: {  	[spmem:s6] =	stream.linear.scatter [tilespmem:s8], [sflag:$0x1], $0x40, $0x38;
	[tilespmem:$0x1CC0] =	vst v63  }
0x11a: {  	_ =	swait.ge [sflag:s7], $0x40  }
0x11b: {  	[sflag:s7] =	ssyncset.done $0x0  }
0x11c: {  	[sflag:s7] =	ssyncadd.s32 $0xFFFFFFC0  }
0x11d: {  	[spmem:s9] =	stream.linear.scatter [tilespmem:s8], [sflag:$0x1], $0x40, $0x38;
	[tilespmem:$0x1CC0] =	vst v63  }
0x11e: {  	_ =	swait.ge [sflag:s7], $0x40  }
0x11f: {  	[sflag:s7] =	ssyncset.done $0x0  }
0x120: {  	[sflag:s7] =	ssyncadd.s32 $0xFFFFFFC0  }
0x121: {  	[spmem:s10] =	stream.linear.scatter [tilespmem:s8], [sflag:$0x1], $0x40, $0x38;
	[tilespmem:$0x1CC0] =	vst v63  }
0x122: {  	_ =	swait.ge [sflag:s7], $0x40  }
0x123: {  	[sflag:s7] =	ssyncset.done $0x0  }
0x124: {  	s0 =	rddreg [dreg:$0x5];
	[sflag:s7] =	ssyncadd.s32 $0xFFFFFFC0  }
0x125: {  	[tilespmem:s5], [sflag:$0x1] =	stream.linear.gather [hbm4b:s0+s5], $0x680, $0x38;
	[tilespmem:$0x1CC0] =	vst v63  }
0x126: {  	_ =	swait.ge [sflag:s7], $0x680  }
0x127: {  	[sflag:s7] =	ssyncset.done $0x0  }
0x128: {  	s0 =	rddreg [dreg:$0x6];
	[sflag:s7] =	ssyncadd.s32 $0xFFFFF980  }
0x129: {  	[tilespmem:s11], [sflag:$0x1] =	stream.linear.gather [hbm4b:s0+s5], $0x680, $0x38;
	[tilespmem:$0x1CC0] =	vst v63  }
0x12a: {  	_ =	swait.ge [sflag:s7], $0x680  }
0x12b: {  	[sflag:s7] =	ssyncset.done $0x0  }
0x12c: {  	s0 =	rddreg [dreg:$0x7];
	[sflag:s7] =	ssyncadd.s32 $0xFFFFF980  }
0x12d: {  	[tilespmem:s12], [sflag:$0x1] =	stream.linear.gather [hbm4b:s0+s5], $0x680, $0x38;
	[tilespmem:$0x1CC0] =	vst v63  }
0x12e: {  	_ =	swait.ge [sflag:s7], $0x680  }
0x12f: {  	[sflag:s7] =	ssyncset.done $0x0  }
0x130: {  	s0 =	rddreg [dreg:$0x8];
	[sflag:s7] =	ssyncadd.s32 $0xFFFFF980  }
0x131: {  	[tilespmem:s13], [sflag:$0x1] =	stream.linear.gather [hbm4b:s0+s5], $0x680, $0x38;
	[tilespmem:$0x1CC0] =	vst v63  }
0x132: {  	_ =	swait.ge [sflag:s7], $0x680  }
0x133: {  	[sflag:s7] =	ssyncset.done $0x0  }
0x134: {  	[sflag:s7] =	ssyncadd.s32 $0xFFFFF980  }
0x135: {  	[bflag:$0x0] =	sbarrier.arrive $0xFFFF  }
0x136: {  	[spmem:s1] =	stream.indirect.scatter.add.f32 [tilespmem:s11], [sflag:$0x1], $0x1, s5, s14, $0xb8;
	[tilespmem:$0x1CC0] =	vst v63  }
0x137: {  	_ =	swait.ge [sflag:s7], $0x80  }
0x138: {  	[sflag:s7] =	ssyncset.done $0x0  }
0x139: {  	[sflag:s7] =	ssyncadd.s32 $0xFFFFFF80  }
0x13a: {  	[spmem:s3] =	stream.indirect.scatter.add.f32 [tilespmem:s12], [sflag:$0x1], $0x1, s5, s14, $0xb8;
	[tilespmem:$0x1CC0] =	vst v63  }
0x13b: {  	_ =	swait.ge [sflag:s7], $0x80  }
0x13c: {  	[sflag:s7] =	ssyncset.done $0x0  }
0x13d: {  	[sflag:s7] =	ssyncadd.s32 $0xFFFFFF80  }
0x13e: {  	[spmem:s4] =	stream.indirect.scatter.add.f32 [tilespmem:s13], [sflag:$0x1], $0x1, s5, s14, $0xb8;
	[tilespmem:$0x1CC0] =	vst v63  }
0x13f: {  	_ =	swait.ge [sflag:s7], $0x80  }
0x140: {  	[sflag:s7] =	ssyncset.done $0x0  }
0x141: {  	s0 =	rddreg [dreg:$0xc];
	[sflag:s7] =	ssyncadd.s32 $0xFFFFFF80  }
0x142: {  	[spmem:s1] =	stream.indirect.scatter.add.f32 [tilespmem:s0], [sflag:$0x1], $0x1, s14, s14, $0xb8;
	[tilespmem:$0x1CC0] =	vst v63  }
0x143: {  	_ =	swait.ge [sflag:s7], $0x80  }
0x144: {  	[sflag:s7] =	ssyncset.done $0x0  }
0x145: {  	s0 =	rddreg [dreg:$0xd];
	[sflag:s7] =	ssyncadd.s32 $0xFFFFFF80  }
0x146: {  	[spmem:s3] =	stream.indirect.scatter.add.f32 [tilespmem:s0], [sflag:$0x1], $0x1, s14, s14, $0xb8;
	[tilespmem:$0x1CC0] =	vst v63  }
0x147: {  	_ =	swait.ge [sflag:s7], $0x80  }
0x148: {  	[sflag:s7] =	ssyncset.done $0x0  }
0x149: {  	s0 =	rddreg [dreg:$0xe];
	[sflag:s7] =	ssyncadd.s32 $0xFFFFFF80  }
0x14a: {  	[spmem:s4] =	stream.indirect.scatter.add.f32 [tilespmem:s0], [sflag:$0x1], $0x1, s14, s14, $0xb8;
	[tilespmem:$0x1CC0] =	vst v63  }
0x14b: {  	_ =	swait.ge [sflag:s7], $0x80  }
0x14c: {  	[sflag:s7] =	ssyncset.done $0x0  }
0x14d: {  	s0 =	rddreg [dreg:$0xf];
	[sflag:s7] =	ssyncadd.s32 $0xFFFFFF80  }
0x14e: {  	[spmem:s1] =	stream.indirect.scatter.add.f32 [tilespmem:s0], [sflag:$0x1], $0x1, s15, s14, $0xb8;
	[tilespmem:$0x1CC0] =	vst v63  }
0x14f: {  	_ =	swait.ge [sflag:s7], $0x80  }
0x150: {  	[sflag:s7] =	ssyncset.done $0x0  }
0x151: {  	s0 =	rddreg [dreg:$0x10];
	[sflag:s7] =	ssyncadd.s32 $0xFFFFFF80  }
0x152: {  	[spmem:s3] =	stream.indirect.scatter.add.f32 [tilespmem:s0], [sflag:$0x1], $0x1, s15, s14, $0xb8;
	[tilespmem:$0x1CC0] =	vst v63  }
0x153: {  	_ =	swait.ge [sflag:s7], $0x80  }
0x154: {  	[sflag:s7] =	ssyncset.done $0x0  }
0x155: {  	s0 =	rddreg [dreg:$0x11];
	[sflag:s7] =	ssyncadd.s32 $0xFFFFFF80  }
0x156: {  	[spmem:s4] =	stream.indirect.scatter.add.f32 [tilespmem:s0], [sflag:$0x1], $0x1, s15, s14, $0xb8;
	[tilespmem:$0x1CC0] =	vst v63  }
0x157: {  	_ =	swait.ge [sflag:s7], $0x80  }
0x158: {  	[sflag:s7] =	ssyncset.done $0x0  }
0x159: {  	s0 =	rddreg [dreg:$0x12];
	[sflag:s7] =	ssyncadd.s32 $0xFFFFFF80  }
0x15a: {  	[spmem:s1] =	stream.indirect.scatter.add.f32 [tilespmem:s0], [sflag:$0x1], $0x1, s16, s14, $0xb8;
	[tilespmem:$0x1CC0] =	vst v63  }
0x15b: {  	_ =	swait.ge [sflag:s7], $0x80  }
0x15c: {  	[sflag:s7] =	ssyncset.done $0x0  }
0x15d: {  	s0 =	rddreg [dreg:$0x13];
	[sflag:s7] =	ssyncadd.s32 $0xFFFFFF80  }
0x15e: {  	[spmem:s3] =	stream.indirect.scatter.add.f32 [tilespmem:s0], [sflag:$0x1], $0x1, s16, s14, $0xb8;
	[tilespmem:$0x1CC0] =	vst v63  }
0x15f: {  	_ =	swait.ge [sflag:s7], $0x80  }
0x160: {  	[sflag:s7] =	ssyncset.done $0x0  }
0x161: {  	s0 =	rddreg [dreg:$0x14];
	[sflag:s7] =	ssyncadd.s32 $0xFFFFFF80  }
0x162: {  	[spmem:s4] =	stream.indirect.scatter.add.f32 [tilespmem:s0], [sflag:$0x1], $0x1, s16, s14, $0xb8;
	[tilespmem:$0x1CC0] =	vst v63  }
0x163: {  	_ =	swait.ge [sflag:s7], $0x80  }
0x164: {  	[sflag:s7] =	ssyncset.done $0x0  }
0x165: {  	s0 =	rddreg [dreg:$0x15];
	[sflag:s7] =	ssyncadd.s32 $0xFFFFFF80  }
0x166: {  	[spmem:s1] =	stream.indirect.scatter.add.f32 [tilespmem:s0], [sflag:$0x1], $0x1, s17, s14, $0xb8;
	[tilespmem:$0x1CC0] =	vst v63  }
0x167: {  	_ =	swait.ge [sflag:s7], $0x80  }
0x168: {  	[sflag:s7] =	ssyncset.done $0x0  }
0x169: {  	s0 =	rddreg [dreg:$0x16];
	[sflag:s7] =	ssyncadd.s32 $0xFFFFFF80  }
0x16a: {  	[spmem:s3] =	stream.indirect.scatter.add.f32 [tilespmem:s0], [sflag:$0x1], $0x1, s17, s14, $0xb8;
	[tilespmem:$0x1CC0] =	vst v63  }
0x16b: {  	_ =	swait.ge [sflag:s7], $0x80  }
0x16c: {  	[sflag:s7] =	ssyncset.done $0x0  }
0x16d: {  	s0 =	rddreg [dreg:$0x17];
	[sflag:s7] =	ssyncadd.s32 $0xFFFFFF80  }
0x16e: {  	[spmem:s4] =	stream.indirect.scatter.add.f32 [tilespmem:s0], [sflag:$0x1], $0x1, s17, s14, $0xb8;
	[tilespmem:$0x1CC0] =	vst v63  }
0x16f: {  	_ =	swait.ge [sflag:s7], $0x80  }
0x170: {  	[sflag:s7] =	ssyncset.done $0x0  }
0x171: {  	s0 =	rddreg [dreg:$0x18];
	[sflag:s7] =	ssyncadd.s32 $0xFFFFFF80  }
0x172: {  	[spmem:s1] =	stream.indirect.scatter.add.f32 [tilespmem:s0], [sflag:$0x1], $0x1, s18, s14, $0xb8;
	[tilespmem:$0x1CC0] =	vst v63  }
0x173: {  	_ =	swait.ge [sflag:s7], $0x80  }
0x174: {  	[sflag:s7] =	ssyncset.done $0x0  }
0x175: {  	s0 =	rddreg [dreg:$0x19];
	[sflag:s7] =	ssyncadd.s32 $0xFFFFFF80  }
0x176: {  	[spmem:s3] =	stream.indirect.scatter.add.f32 [tilespmem:s0], [sflag:$0x1], $0x1, s18, s14, $0xb8;
	[tilespmem:$0x1CC0] =	vst v63  }
0x177: {  	_ =	swait.ge [sflag:s7], $0x80  }
0x178: {  	[sflag:s7] =	ssyncset.done $0x0  }
0x179: {  	s0 =	rddreg [dreg:$0x1a];
	[sflag:s7] =	ssyncadd.s32 $0xFFFFFF80  }
0x17a: {  	[spmem:s4] =	stream.indirect.scatter.add.f32 [tilespmem:s0], [sflag:$0x1], $0x1, s18, s14, $0xb8;
	[tilespmem:$0x1CC0] =	vst v63  }
0x17b: {  	_ =	swait.ge [sflag:s7], $0x80  }
0x17c: {  	[sflag:s7] =	ssyncset.done $0x0  }
0x17d: {  	s0 =	rddreg [dreg:$0x1b];
	[sflag:s7] =	ssyncadd.s32 $0xFFFFFF80  }
0x17e: {  	[spmem:s1] =	stream.indirect.scatter.add.f32 [tilespmem:s0], [sflag:$0x1], $0x1, s19, s14, $0xb8;
	[tilespmem:$0x1CC0] =	vst v63  }
0x17f: {  	_ =	swait.ge [sflag:s7], $0x80  }
0x180: {  	[sflag:s7] =	ssyncset.done $0x0  }
0x181: {  	s0 =	rddreg [dreg:$0x1c];
	[sflag:s7] =	ssyncadd.s32 $0xFFFFFF80  }
0x182: {  	[spmem:s3] =	stream.indirect.scatter.add.f32 [tilespmem:s0], [sflag:$0x1], $0x1, s19, s14, $0xb8;
	[tilespmem:$0x1CC0] =	vst v63  }
0x183: {  	_ =	swait.ge [sflag:s7], $0x80  }
0x184: {  	[sflag:s7] =	ssyncset.done $0x0  }
0x185: {  	s0 =	rddreg [dreg:$0x1d];
	[sflag:s7] =	ssyncadd.s32 $0xFFFFFF80  }
0x186: {  	[spmem:s4] =	stream.indirect.scatter.add.f32 [tilespmem:s0], [sflag:$0x1], $0x1, s19, s14, $0xb8;
	[tilespmem:$0x1CC0] =	vst v63  }
0x187: {  	_ =	swait.ge [sflag:s7], $0x80  }
0x188: {  	[sflag:s7] =	ssyncset.done $0x0  }
0x189: {  	s0 =	rddreg [dreg:$0x1e];
	[sflag:s7] =	ssyncadd.s32 $0xFFFFFF80  }
0x18a: {  	[spmem:s1] =	stream.indirect.scatter.add.f32 [tilespmem:s0], [sflag:$0x1], $0x1, s20, s14, $0xb8;
	[tilespmem:$0x1CC0] =	vst v63  }
0x18b: {  	_ =	swait.ge [sflag:s7], $0x80  }
0x18c: {  	[sflag:s7] =	ssyncset.done $0x0  }
0x18d: {  	s0 =	rddreg [dreg:$0x1f];
	[sflag:s7] =	ssyncadd.s32 $0xFFFFFF80  }
0x18e: {  	[spmem:s3] =	stream.indirect.scatter.add.f32 [tilespmem:s0], [sflag:$0x1], $0x1, s20, s14, $0xb8;
	[tilespmem:$0x1CC0] =	vst v63  }
0x18f: {  	_ =	swait.ge [sflag:s7], $0x80  }
0x190: {  	s0 =	sld [smem:$0x7EF]  }
0x191: {  	[sflag:s7] =	ssyncset.done $0x0  }
0x192: {  	[sflag:s7] =	ssyncadd.s32 $0xFFFFFF80  }
0x193: {  	[spmem:s4] =	stream.indirect.scatter.add.f32 [tilespmem:s0], [sflag:$0x1], $0x1, s20, s14, $0xb8;
	[tilespmem:$0x1CC0] =	vst v63  }
0x194: {  	_ =	swait.ge [sflag:s7], $0x80  }
0x195: {  	s0 =	sld [smem:$0x7F0]  }
0x196: {  	[sflag:s7] =	ssyncset.done $0x0  }
0x197: {  	[sflag:s7] =	ssyncadd.s32 $0xFFFFFF80  }
0x198: {  	[spmem:s1] =	stream.indirect.scatter.add.f32 [tilespmem:s0], [sflag:$0x1], $0x1, s21, s14, $0xb8;
	[tilespmem:$0x1CC0] =	vst v63  }
0x199: {  	_ =	swait.ge [sflag:s7], $0x80  }
0x19a: {  	s0 =	sld [smem:$0x7F1]  }
0x19b: {  	[sflag:s7] =	ssyncset.done $0x0  }
0x19c: {  	[sflag:s7] =	ssyncadd.s32 $0xFFFFFF80  }
0x19d: {  	[spmem:s3] =	stream.indirect.scatter.add.f32 [tilespmem:s0], [sflag:$0x1], $0x1, s21, s14, $0xb8;
	[tilespmem:$0x1CC0] =	vst v63  }
0x19e: {  	_ =	swait.ge [sflag:s7], $0x80  }
0x19f: {  	s0 =	sld [smem:$0x7F2]  }
0x1a0: {  	[sflag:s7] =	ssyncset.done $0x0  }
0x1a1: {  	[sflag:s7] =	ssyncadd.s32 $0xFFFFFF80  }
0x1a2: {  	[spmem:s4] =	stream.indirect.scatter.add.f32 [tilespmem:s0], [sflag:$0x1], $0x1, s21, s14, $0xb8;
	[tilespmem:$0x1CC0] =	vst v63  }
0x1a3: {  	_ =	swait.ge [sflag:s7], $0x80  }
0x1a4: {  	s0 =	sld [smem:$0x7F3]  }
0x1a5: {  	[sflag:s7] =	ssyncset.done $0x0  }
0x1a6: {  	[sflag:s7] =	ssyncadd.s32 $0xFFFFFF80  }
0x1a7: {  	[spmem:s1] =	stream.indirect.scatter.add.f32 [tilespmem:s0], [sflag:$0x1], $0x1, s22, s14, $0xb8;
	[tilespmem:$0x1CC0] =	vst v63  }
0x1a8: {  	_ =	swait.ge [sflag:s7], $0x80  }
0x1a9: {  	s0 =	sld [smem:$0x7F4]  }
0x1aa: {  	[sflag:s7] =	ssyncset.done $0x0  }
0x1ab: {  	[sflag:s7] =	ssyncadd.s32 $0xFFFFFF80  }
0x1ac: {  	[spmem:s3] =	stream.indirect.scatter.add.f32 [tilespmem:s0], [sflag:$0x1], $0x1, s22, s14, $0xb8;
	[tilespmem:$0x1CC0] =	vst v63  }
0x1ad: {  	_ =	swait.ge [sflag:s7], $0x80  }
0x1ae: {  	s0 =	sld [smem:$0x7F5]  }
0x1af: {  	[sflag:s7] =	ssyncset.done $0x0  }
0x1b0: {  	[sflag:s7] =	ssyncadd.s32 $0xFFFFFF80  }
0x1b1: {  	[spmem:s4] =	stream.indirect.scatter.add.f32 [tilespmem:s0], [sflag:$0x1], $0x1, s22, s14, $0xb8;
	[tilespmem:$0x1CC0] =	vst v63  }
0x1b2: {  	_ =	swait.ge [sflag:s7], $0x80  }
0x1b3: {  	s0 =	sld [smem:$0x7F6]  }
0x1b4: {  	[sflag:s7] =	ssyncset.done $0x0  }
0x1b5: {  	[sflag:s7] =	ssyncadd.s32 $0xFFFFFF80  }
0x1b6: {  	[spmem:s1] =	stream.indirect.scatter.add.f32 [tilespmem:s0], [sflag:$0x1], $0x1, s23, s14, $0xb8;
	[tilespmem:$0x1CC0] =	vst v63  }
0x1b7: {  	_ =	swait.ge [sflag:s7], $0x80  }
0x1b8: {  	s0 =	sld [smem:$0x7F7]  }
0x1b9: {  	[sflag:s7] =	ssyncset.done $0x0  }
0x1ba: {  	[sflag:s7] =	ssyncadd.s32 $0xFFFFFF80  }
0x1bb: {  	[spmem:s3] =	stream.indirect.scatter.add.f32 [tilespmem:s0], [sflag:$0x1], $0x1, s23, s14, $0xb8;
	[tilespmem:$0x1CC0] =	vst v63  }
0x1bc: {  	_ =	swait.ge [sflag:s7], $0x80  }
0x1bd: {  	s0 =	sld [smem:$0x7F8]  }
0x1be: {  	[sflag:s7] =	ssyncset.done $0x0  }
0x1bf: {  	[sflag:s7] =	ssyncadd.s32 $0xFFFFFF80  }
0x1c0: {  	[spmem:s4] =	stream.indirect.scatter.add.f32 [tilespmem:s0], [sflag:$0x1], $0x1, s23, s14, $0xb8;
	[tilespmem:$0x1CC0] =	vst v63  }
0x1c1: {  	_ =	swait.ge [sflag:s7], $0x80  }
0x1c2: {  	s0 =	sld [smem:$0x7F9]  }
0x1c3: {  	[sflag:s7] =	ssyncset.done $0x0  }
0x1c4: {  	[sflag:s7] =	ssyncadd.s32 $0xFFFFFF80  }
0x1c5: {  	[spmem:s1] =	stream.indirect.scatter.add.f32 [tilespmem:s0], [sflag:$0x1], $0x1, s24, s14, $0xb8;
	[tilespmem:$0x1CC0] =	vst v63  }
0x1c6: {  	_ =	swait.ge [sflag:s7], $0x80  }
0x1c7: {  	s0 =	sld [smem:$0x7FA]  }
0x1c8: {  	[sflag:s7] =	ssyncset.done $0x0  }
0x1c9: {  	[sflag:s7] =	ssyncadd.s32 $0xFFFFFF80  }
0x1ca: {  	[spmem:s3] =	stream.indirect.scatter.add.f32 [tilespmem:s0], [sflag:$0x1], $0x1, s24, s14, $0xb8;
	[tilespmem:$0x1CC0] =	vst v63  }
0x1cb: {  	_ =	swait.ge [sflag:s7], $0x80  }
0x1cc: {  	s0 =	sld [smem:$0x7FB]  }
0x1cd: {  	[sflag:s7] =	ssyncset.done $0x0  }
0x1ce: {  	[sflag:s7] =	ssyncadd.s32 $0xFFFFFF80  }
0x1cf: {  	[spmem:s4] =	stream.indirect.scatter.add.f32 [tilespmem:s0], [sflag:$0x1], $0x1, s24, s14, $0xb8;
	[tilespmem:$0x1CC0] =	vst v63  }
0x1d0: {  	_ =	swait.ge [sflag:s7], $0x80  }
0x1d1: {  	s0 =	sld [smem:$0x7FC]  }
0x1d2: {  	[sflag:s7] =	ssyncset.done $0x0  }
0x1d3: {  	[sflag:s7] =	ssyncadd.s32 $0xFFFFFF80  }
0x1d4: {  	[spmem:s1] =	stream.indirect.scatter.add.f32 [tilespmem:s0], [sflag:$0x1], $0x1, s25, s14, $0xb8;
	[tilespmem:$0x1CC0] =	vst v63  }
0x1d5: {  	_ =	swait.ge [sflag:s7], $0x80  }
0x1d6: {  	[sflag:s7] =	ssyncset.done $0x0  }
0x1d7: {  	[sflag:s7] =	ssyncadd.s32 $0xFFFFFF80  }
0x1d8: {  	[spmem:s3] =	stream.indirect.scatter.add.f32 [tilespmem:s26], [sflag:$0x1], $0x1, s25, s14, $0xb8;
	[tilespmem:$0x1CC0] =	vst v63  }
0x1d9: {  	_ =	swait.ge [sflag:s7], $0x80  }
0x1da: {  	[sflag:s7] =	ssyncset.done $0x0  }
0x1db: {  	[sflag:s7] =	ssyncadd.s32 $0xFFFFFF80  }
0x1dc: {  	[spmem:s4] =	stream.indirect.scatter.add.f32 [tilespmem:s28], [sflag:$0x1], $0x1, s25, s14, $0xb8;
	[tilespmem:$0x1CC0] =	vst v63  }
0x1dd: {  	_ =	swait.ge [sflag:s7], $0x80  }
0x1de: {  	[sflag:s7] =	ssyncset.done $0x0  }
0x1df: {  	[sflag:s7] =	ssyncadd.s32 $0xFFFFFF80  }
0x1e0: {  	[bflag:$0x0] =	sbarrier.arrive $0xFFFF  }
0x1e1: {  	[tilespmem:s29], [sflag:$0x1] =	stream.linear.gather [spmem:s6], $0x40, $0x38;
	[tilespmem:$0x1CC0] =	vst v63  }
0x1e2: {  	_ =	swait.ge [sflag:s7], $0x40  }
0x1e3: {  	[sflag:s7] =	ssyncset.done $0x0  }
0x1e4: {  	[sflag:s7] =	ssyncadd.s32 $0xFFFFFFC0  }
0x1e5: {  	[tilespmem:s30], [sflag:$0x1] =	stream.linear.gather [spmem:s9], $0x40, $0x38;
	[tilespmem:$0x1CC0] =	vst v63  }
0x1e6: {  	_ =	swait.ge [sflag:s7], $0x40  }
0x1e7: {  	[sflag:s7] =	ssyncset.done $0x0  }
0x1e8: {  	[sflag:s7] =	ssyncadd.s32 $0xFFFFFFC0  }
0x1e9: {  	[tilespmem:s31], [sflag:$0x1] =	stream.linear.gather [spmem:s10], $0x40, $0x38;
	[tilespmem:$0x1CC0] =	vst v63  }
0x1ea: {  	_ =	swait.ge [sflag:s7], $0x40  }
0x1eb: {  	[sflag:s7] =	ssyncset.done $0x0  }
0x1ec: {  	s0 =	rddreg [dreg:$0x9];
	[sflag:s7] =	ssyncadd.s32 $0xFFFFFFC0  }
0x1ed: {  	[hbm4b:s0+s5] =	stream.linear.scatter [tilespmem:s29], [sflag:$0x1], $0x40, $0x38;
	[tilespmem:$0x1CC0] =	vst v63  }
0x1ee: {  	_ =	swait.ge [sflag:s7], $0x40  }
0x1ef: {  	[sflag:s7] =	ssyncset.done $0x0  }
0x1f0: {  	s0 =	rddreg [dreg:$0xa];
	[sflag:s7] =	ssyncadd.s32 $0xFFFFFFC0  }
0x1f1: {  	[hbm4b:s0+s5] =	stream.linear.scatter [tilespmem:s30], [sflag:$0x1], $0x40, $0x38;
	[tilespmem:$0x1CC0] =	vst v63  }
0x1f2: {  	p0 =	sne.s32 s2, $0x1;
	_ =	swait.ge [sflag:s7], $0x40  }
.Ltmp1:
0x1f3: {  	[sflag:s7] =	ssyncset.done $0x0;
	(pc) =	sbr.rel @p0 .LBB2_1-.Ltmp1, $4  }
0x1f4: {  	s0 =	rddreg [dreg:$0xb];
	[sflag:s7] =	ssyncadd.s32 $0xFFFFFFC0  }
0x1f5: {  	[hbm4b:s0+s5] =	stream.linear.scatter [tilespmem:s31], [sflag:$0x1], $0x40, $0x38;
	[tilespmem:$0x1CC0] =	vst v63  }
0x1f6: {  	_ =	swait.ge [sflag:s7], $0x40  }
0x1f7: {  	s2 =	sadd.s32 $0xFFFFFFFF, s2;
	[sflag:s7] =	ssyncset.done $0x0  }
.LBB2_2:
0x1f8: {  	[sflag:s7] =	ssyncadd.s32 $0xFFFFFFC0  }
0x1f9: {  	_ =	sfence.sel $0x180000  }
0x1fa: {  	[bflag:$0x0] =	sbarrier.arrive $0xFFFF  }
0x1fb: {  	_ =	strace $0x90000047  }
0x1fc: {  	s0 =	stileid.u32;
	[bflag:$0x2] =	sbarrier.arrive $0xFFFF  }
0x1fd: {  	p0 =	sne.s32 s0, $0x0;
	s0 =	rddreg [dreg:$0x4]  }
0x1fe: {  	s0 =	sadd.s32 @!p0 $0x100000, s0  }
0x1ff: {  	[sflag:s0] =	ssyncadd.tile.s32 @!p0 $0x1;
	_ =	shalt  }
.Lfunc_end2:
_tile_overlayer_lowered:
.L_overlay_start_2:
0x200: {  	(tag) =	ssettag $0x2  }
0x201: {  	s0 =	rddreg [dreg:$0x0];
	s2 =	stileid.u32  }
0x202: {  	s1 =	rddreg [dreg:$0x1];
	p0 =	sne.s32 s2, $0x0  }
0x203: {  	s3 =	rddreg [dreg:$0x2];
	[bflag:$0x3] =	sbarrier.arrive $0xFFFF;
	s2 =	simm.s32 @!p0 $0x1C01  }
0x204: {  	[timem:s3], [sflag:s2] =	dma.local @!p0 [hbm:s0], s1  }
0x205: {  	s0 =	simm.s32 @!p0 $0x1  }
0x206: {  	_ =	swait.ge @!p0 [sflag:s0], s1  }
0x207: {  	s1 =	ssub.s32 @!p0 $0x0, s1;
	[sflag:s0] =	ssyncset.done @!p0 $0x0  }
0x208: {  	[sflag:s0] =	ssyncadd.s32 @!p0 s1  }
0x209: {  	[bflag:$0x3] =	sbarrier.arrive $0xFFFF  }
0x20a: {  	_ =	shalt  }

</sc_bundles>
